<compile_context>
chip_gen: v7x
topology: tpu7x:2x2x1
jax: 0.10.2.dev20260603
libtpu: 0.0.44.dev20260713+nightly
codegen_flags: <defaults>
</compile_context>

<pallas_src>
import jax
import jax.numpy as jnp
from jax import lax
from jax.experimental import pallas as pl
from jax.experimental.pallas import tpu as pltpu
from jax.experimental.pallas import tpu_sc as plsc

_N = 10000
_E = 320000
_F = 128

_NC = 2
_NS = 16
_NW = _NC * _NS
_EPW = _E // _NW
_CH = 80
_NCH = _EPW // _CH
_RPW = 624
_RTAIL = _N - _NS * _RPW


def _segsum_body(v_hbm, dst_hbm, zero_hbm, out_hbm, idx_v, rows_v, acc_sh):
    c = lax.axis_index("c")
    s = lax.axis_index("s")
    wid = s * _NC + c

    @pl.when(s == 0)
    def _init():
        pltpu.sync_copy(zero_hbm, acc_sh)

    plsc.subcore_barrier()

    def body(i, carry):
        base = wid * _EPW + i * _CH
        pltpu.sync_copy(dst_hbm.at[pl.ds(base, _CH)], idx_v)
        pltpu.sync_copy(v_hbm.at[pl.ds(base, _CH)], rows_v)
        pltpu.sync_copy(rows_v, acc_sh.at[idx_v], add=True)
        return carry

    lax.fori_loop(0, _NCH, body, 0)
    plsc.subcore_barrier()
    pltpu.sync_copy(acc_sh.at[pl.ds(s * _RPW, _RPW)],
                    out_hbm.at[pl.ds(c * _N + s * _RPW, _RPW)])

    @pl.when(s == 0)
    def _tail():
        pltpu.sync_copy(acc_sh.at[pl.ds(_NS * _RPW, _RTAIL)],
                        out_hbm.at[pl.ds(c * _N + _NS * _RPW, _RTAIL)])


_segsum_call = pl.kernel(
    _segsum_body,
    out_type=jax.ShapeDtypeStruct((2 * _N, _F), jnp.float32),
    mesh=plsc.VectorSubcoreMesh(core_axis_name="c", subcore_axis_name="s"),
    scratch_types=[pltpu.VMEM((_CH,), jnp.int32),
                   pltpu.VMEM((_CH, _F), jnp.float32),
                   pltpu.VMEM_SHARED((_N, _F), jnp.float32)],
)


def _make_gather_pair(d):
    def body(a_hbm, b_hbm, src_hbm, dst_hbm, sa_hbm, sb_hbm,
             idxs_v, idxd_v, bufa_v, bufb_v, sema, semb):
        c = lax.axis_index("c")
        s = lax.axis_index("s")
        wid = s * _NC + c

        def step(i, carry):
            base = wid * _EPW + i * _CH
            pltpu.sync_copy(src_hbm.at[pl.ds(base, _CH)], idxs_v)
            pltpu.sync_copy(dst_hbm.at[pl.ds(base, _CH)], idxd_v)
            cpa = pltpu.async_copy(a_hbm.at[idxs_v], bufa_v, sema)
            cpb = pltpu.async_copy(b_hbm.at[idxd_v], bufb_v, semb)
            cpa.wait()
            cpb.wait()
            pltpu.sync_copy(bufa_v, sa_hbm.at[pl.ds(base, _CH)])
            pltpu.sync_copy(bufb_v, sb_hbm.at[pl.ds(base, _CH)])
            return carry

        lax.fori_loop(0, _NCH, step, 0)

    return pl.kernel(
        body,
        out_type=[jax.ShapeDtypeStruct((_E, d), jnp.float32),
                  jax.ShapeDtypeStruct((_E, d), jnp.float32)],
        mesh=plsc.VectorSubcoreMesh(core_axis_name="c", subcore_axis_name="s"),
        scratch_types=[pltpu.VMEM((_CH,), jnp.int32),
                       pltpu.VMEM((_CH,), jnp.int32),
                       pltpu.VMEM((_CH, d), jnp.float32),
                       pltpu.VMEM((_CH, d), jnp.float32),
                       pltpu.SemaphoreType.DMA,
                       pltpu.SemaphoreType.DMA],
    )


_gather_pair_128 = _make_gather_pair(_F)


_BE = 2560
_BN = 2000


def _prep_body(nrest_ref, wsel_ref, p_ref, pneg_ref):
    p = jnp.dot(nrest_ref[...], wsel_ref[...],
                preferred_element_type=jnp.float32)
    p_ref[...] = p
    pneg_ref[...] = -p


def _prep(nrest, wsel):
    return pl.pallas_call(
        _prep_body,
        grid=(_N // _BN,),
        in_specs=[
            pl.BlockSpec((_BN, 32), lambda i: (i, 0)),
            pl.BlockSpec((32, _F), lambda i: (0, 0)),
        ],
        out_specs=[
            pl.BlockSpec((_BN, _F), lambda i: (i, 0)),
            pl.BlockSpec((_BN, _F), lambda i: (i, 0)),
        ],
        out_shape=[
            jax.ShapeDtypeStruct((_N, _F), jnp.float32),
            jax.ShapeDtypeStruct((_N, _F), jnp.float32),
        ],
    )(nrest, wsel)


def _edge_mlp1_body(he_ref, rest_ref, gs_ref, gd_ref, wh_ref, wr_ref,
                    b1_ref, w2_ref, b2_ref, out_ref):
    x = jnp.dot(he_ref[...], wh_ref[...], preferred_element_type=jnp.float32)
    x = x + jnp.dot(rest_ref[...], wr_ref[...],
                    preferred_element_type=jnp.float32)
    x = x + gs_ref[...] + gd_ref[...]
    h = jnp.maximum(x + b1_ref[...], 0.0)
    out_ref[...] = jnp.dot(h, w2_ref[...],
                           preferred_element_type=jnp.float32) + b2_ref[...]


def _edge_mlp1(h_e, rest, gs, gd, wh, wr, b1, w2, b2):
    return pl.pallas_call(
        _edge_mlp1_body,
        grid=(_E // _BE,),
        in_specs=[
            pl.BlockSpec((_BE, _F), lambda i: (i, 0)),
            pl.BlockSpec((_BE, 32), lambda i: (i, 0)),
            pl.BlockSpec((_BE, _F), lambda i: (i, 0)),
            pl.BlockSpec((_BE, _F), lambda i: (i, 0)),
            pl.BlockSpec((_F, _F), lambda i: (0, 0)),
            pl.BlockSpec((32, _F), lambda i: (0, 0)),
            pl.BlockSpec((1, _F), lambda i: (0, 0)),
            pl.BlockSpec((_F, _F), lambda i: (0, 0)),
            pl.BlockSpec((1, _F), lambda i: (0, 0)),
        ],
        out_specs=pl.BlockSpec((_BE, _F), lambda i: (i, 0)),
        out_shape=jax.ShapeDtypeStruct((_E, _F), jnp.float32),
    )(h_e, rest, gs, gd, wh, wr, b1, w2, b2)


def _node_body(p0_ref, p1_ref, nrest_ref, ws_ref, wnr_ref, b1_ref, w2_ref,
               b2_ref, wu_ref, wv_ref, wsel_ref, s_ref, score_ref, a_ref,
               b_ref):
    sblk = p0_ref[...] + p1_ref[...]
    s_ref[...] = sblk
    x = jnp.dot(sblk, ws_ref[...], preferred_element_type=jnp.float32)
    x = x + jnp.dot(nrest_ref[...], wnr_ref[...],
                    preferred_element_type=jnp.float32)
    h = jnp.maximum(x + b1_ref[...], 0.0)
    sc = jnp.dot(h, w2_ref[...], preferred_element_type=jnp.float32) + b2_ref[...]
    score_ref[...] = sc
    pe = jnp.dot(nrest_ref[...], wsel_ref[...],
                 preferred_element_type=jnp.float32)
    a_ref[...] = jnp.dot(sc, wu_ref[...],
                         preferred_element_type=jnp.float32) + pe
    b_ref[...] = jnp.dot(sc, wv_ref[...],
                         preferred_element_type=jnp.float32) - pe


def _node_mlp(partials, nrest, ws, wnr, b1, w2, b2, wu, wv, wsel):
    nb = _N // _BN
    return pl.pallas_call(
        _node_body,
        grid=(nb,),
        in_specs=[
            pl.BlockSpec((_BN, _F), lambda i: (i, 0)),
            pl.BlockSpec((_BN, _F), lambda i: (i + _N // _BN, 0)),
            pl.BlockSpec((_BN, 32), lambda i: (i, 0)),
            pl.BlockSpec((_F, _F), lambda i: (0, 0)),
            pl.BlockSpec((32, _F), lambda i: (0, 0)),
            pl.BlockSpec((1, _F), lambda i: (0, 0)),
            pl.BlockSpec((_F, _F), lambda i: (0, 0)),
            pl.BlockSpec((1, _F), lambda i: (0, 0)),
            pl.BlockSpec((_F, _F), lambda i: (0, 0)),
            pl.BlockSpec((_F, _F), lambda i: (0, 0)),
            pl.BlockSpec((32, _F), lambda i: (0, 0)),
        ],
        out_specs=[
            pl.BlockSpec((_BN, _F), lambda i: (i, 0)),
            pl.BlockSpec((_BN, _F), lambda i: (i, 0)),
            pl.BlockSpec((_BN, _F), lambda i: (i, 0)),
            pl.BlockSpec((_BN, _F), lambda i: (i, 0)),
        ],
        out_shape=[
            jax.ShapeDtypeStruct((_N, _F), jnp.float32),
            jax.ShapeDtypeStruct((_N, _F), jnp.float32),
            jax.ShapeDtypeStruct((_N, _F), jnp.float32),
            jax.ShapeDtypeStruct((_N, _F), jnp.float32),
        ],
    )(partials, partials, nrest, ws, wnr, b1, w2, b2, wu, wv, wsel)


def _edge_mlp2_body(sa_ref, sb_ref, rest_ref, wr_ref, b1_ref, w2_ref, b2_ref,
                    out_ref):
    x = sa_ref[...] + sb_ref[...]
    x = x + jnp.dot(rest_ref[...], wr_ref[...],
                    preferred_element_type=jnp.float32)
    h = jnp.maximum(x + b1_ref[...], 0.0)
    out_ref[...] = jnp.dot(h, w2_ref[...],
                           preferred_element_type=jnp.float32) + b2_ref[...]


def _edge_mlp2(sa, sb, rest, wr, b1, w2, b2):
    return pl.pallas_call(
        _edge_mlp2_body,
        grid=(_E // _BE,),
        in_specs=[
            pl.BlockSpec((_BE, _F), lambda i: (i, 0)),
            pl.BlockSpec((_BE, _F), lambda i: (i, 0)),
            pl.BlockSpec((_BE, 32), lambda i: (i, 0)),
            pl.BlockSpec((32, _F), lambda i: (0, 0)),
            pl.BlockSpec((1, _F), lambda i: (0, 0)),
            pl.BlockSpec((_F, _F), lambda i: (0, 0)),
            pl.BlockSpec((1, _F), lambda i: (0, 0)),
        ],
        out_specs=pl.BlockSpec((_BE, _F), lambda i: (i, 0)),
        out_shape=jax.ShapeDtypeStruct((_E, _F), jnp.float32),
    )(sa, sb, rest, wr, b1, w2, b2)


def kernel(h_e, edge_input, node_input, speed_kph, lanes, length,
           origin_in_degree, origin_out_degree, dest_in_degree,
           dest_out_degree, lat, lon, inputLanes, outputLanes,
           W_n1, b_n1, W_n2, b_n2, W_r1, b_r1, W_r2, b_r2,
           W_e1, b_e1, W_e2, b_e2, edge_index):
    src = edge_index[0]
    dst = edge_index[1]

    zc2 = jnp.zeros((_E, 2), jnp.float32)
    rest = jnp.concatenate([
        speed_kph[:, None], lanes[:, None], length[:, None],
        zc2,
        origin_in_degree[:, None], origin_out_degree[:, None],
        dest_in_degree[:, None], dest_out_degree[:, None],
        edge_input,
        jnp.zeros((_E, 7), jnp.float32),
    ], axis=1)

    nrest = jnp.concatenate([
        node_input, lat[:, None], lon[:, None],
        inputLanes[:, None], outputLanes[:, None],
        jnp.zeros((_N, 12), jnp.float32),
    ], axis=1)

    zpad7 = jnp.zeros((_F, 7), jnp.float32)
    zpad12 = jnp.zeros((_F, 12), jnp.float32)

    def _latlon_sel(w_lat, w_lon):
        wsel = jnp.zeros((32, _F), jnp.float32)
        return wsel.at[16].set(w_lat).at[17].set(w_lon)

    pn, pn_neg = _prep(nrest, _latlon_sel(W_n1[:, 131], W_n1[:, 132]))
    gs, gd = _gather_pair_128(pn, pn_neg, src, dst)

    wh = W_n1[:, :_F].T
    wr_n = jnp.concatenate([W_n1[:, _F:], zpad7], axis=1).T
    v = _edge_mlp1(h_e, rest, gs, gd, wh, wr_n, b_n1[None], W_n2.T,
                   b_n2[None])

    partials = _segsum_call(v, dst, jnp.zeros((_N, _F), jnp.float32))

    ws = W_r1[:, :_F].T
    wnr = jnp.concatenate([W_r1[:, _F:], zpad12], axis=1).T
    wu = W_e1[:, :_F].T
    wv = W_e1[:, _F:2 * _F].T
    wsel_e = _latlon_sel(W_e1[:, 259], W_e1[:, 260])
    s_sum, score, a, b = _node_mlp(partials, nrest, ws, wnr, b_r1[None],
                                   W_r2.T, b_r2[None], wu, wv, wsel_e)

    sa, sb = _gather_pair_128(a, b, src, dst)

    wer = jnp.concatenate([W_e1[:, 2 * _F:], zpad7], axis=1).T
    h_e_new = _edge_mlp2(sa, sb, rest, wer, b_e1[None], W_e2.T, b_e2[None])

    return (h_e_new, score, s_sum)

# --- scband reference (transcript-rebuilt; emitter-appended) ---
"""Pipeline reference for scband-traffic-conv-layer-35923106463786 (READ-ONLY COPY).

The authoritative reference and input builder live on the scoring server;
editing this copy changes nothing except your own understanding.
"""

import jax, jax.numpy as jnp
import numpy as np

N = 10000
E = 320000
F = 128
DE = 16
DN = 16


def setup_inputs(seed: int = 0):
    key = jax.random.key(seed)
    ks = jax.random.split(key, 32)
    inp = {}
    inp["h_e"] = jax.random.normal(ks[0], (E, F), dtype=jnp.float32)
    inp["edge_input"] = jax.random.normal(ks[1], (E, DE), dtype=jnp.float32)
    inp["node_input"] = jax.random.normal(ks[2], (N, DN), dtype=jnp.float32)
    edge_scalar_names = ["speed_kph", "lanes", "length", "origin_in_degree", "origin_out_degree", "dest_in_degree", "dest_out_degree"]
    for i, name in enumerate(edge_scalar_names):
        inp[name] = jax.random.uniform(ks[3 + i], (E,), dtype=jnp.float32)
    node_scalar_names = ["lat", "lon", "inputLanes", "outputLanes"]
    for i, name in enumerate(node_scalar_names):
        inp[name] = jax.random.uniform(ks[10 + i], (N,), dtype=jnp.float32)
    d_n_in = F + 9 + DE
    d_r_in = F + DN + 4
    d_e_in = 2 * F + 9 + DE
    inp["W_n1"] = jax.random.normal(ks[14], (F, d_n_in), dtype=jnp.float32) * 0.05
    inp["b_n1"] = jnp.zeros((F,), dtype=jnp.float32)
    inp["W_n2"] = jax.random.normal(ks[15], (F, F), dtype=jnp.float32) * 0.05
    inp["b_n2"] = jnp.zeros((F,), dtype=jnp.float32)
    inp["W_r1"] = jax.random.normal(ks[16], (F, d_r_in), dtype=jnp.float32) * 0.05
    inp["b_r1"] = jnp.zeros((F,), dtype=jnp.float32)
    inp["W_r2"] = jax.random.normal(ks[17], (F, F), dtype=jnp.float32) * 0.05
    inp["b_r2"] = jnp.zeros((F,), dtype=jnp.float32)
    inp["W_e1"] = jax.random.normal(ks[18], (F, d_e_in), dtype=jnp.float32) * 0.05
    inp["b_e1"] = jnp.zeros((F,), dtype=jnp.float32)
    inp["W_e2"] = jax.random.normal(ks[19], (F, F), dtype=jnp.float32) * 0.05
    inp["b_e2"] = jnp.zeros((F,), dtype=jnp.float32)
    inp["edge_index"] = jax.random.randint(ks[20], (2, E), 0, N, dtype=jnp.int32)
    return inp


def _mlp2(x, W1, b1, W2, b2):
    h = jax.nn.relu(x @ W1.T + b1)
    return h @ W2.T + b2


def reference(h_e, edge_input, node_input, speed_kph, lanes, length, origin_in_degree, origin_out_degree, dest_in_degree, dest_out_degree, lat, lon, inputLanes, outputLanes, W_n1, b_n1, W_n2, b_n2, W_r1, b_r1, W_r2, b_r2, W_e1, b_e1, W_e2, b_e2, edge_index):
    src = edge_index[0]
    dst = edge_index[1]
    lat_diff = (lat[src] - lat[dst])[:, None]
    lon_diff = (lon[src] - lon[dst])[:, None]
    edge_scalars = jnp.concatenate([speed_kph[:, None], lanes[:, None], length[:, None], lat_diff, lon_diff, origin_in_degree[:, None], origin_out_degree[:, None], dest_in_degree[:, None], dest_out_degree[:, None]], axis=1)
    # upd_all: per-edge message MLP (linear_nodes), then fn.sum('v','h') scatter-add to dst nodes
    msg_in = jnp.concatenate([h_e, edge_scalars, edge_input], axis=1)
    v = _mlp2(msg_in, W_n1, b_n1, W_n2, b_n2)
    s = jax.ops.segment_sum(v, dst, num_segments=N)
    # node reduction MLP (linear_reduction)
    node_in = jnp.concatenate([s, node_input, lat[:, None], lon[:, None], inputLanes[:, None], outputLanes[:, None]], axis=1)
    score = _mlp2(node_in, W_r1, b_r1, W_r2, b_r2)
    # apply_edges: gather updated node states, per-edge MLP (linear_edges)
    h_u = score[src]
    h_v = score[dst]
    edge_in2 = jnp.concatenate([h_u, h_v, edge_scalars, edge_input], axis=1)
    h_e_new = _mlp2(edge_in2, W_e1, b_e1, W_e2, b_e2)
    return (h_e_new, score, s)

if __name__ == "__main__":
    import jax
    _d = setup_inputs()
    print(jax.jit(kernel)(*tuple(_d.values())))

</pallas_src>

<mosaic_0001>
#map = affine_map<(d0, d1) -> (0, 0)>
#map1 = affine_map<(d0, d1) -> (0)>
module attributes {stable_mosaic.version = 14 : i64} {
  func.func @body(%arg0: i32, %arg1: i32, %arg2: memref<10000x128xf32, #tpu.memory_space<hbm>>, %arg3: memref<10000x128xf32, #tpu.memory_space<hbm>>, %arg4: memref<320000xi32, #tpu.memory_space<hbm>>, %arg5: memref<320000xi32, #tpu.memory_space<hbm>>, %arg6: memref<320000x128xf32, #tpu.memory_space<hbm>>, %arg7: memref<320000x128xf32, #tpu.memory_space<hbm>>, %arg8: memref<80xi32, #tpu.memory_space<vmem>>, %arg9: memref<80xi32, #tpu.memory_space<vmem>>, %arg10: memref<80x128xf32, #tpu.memory_space<vmem>>, %arg11: memref<80x128xf32, #tpu.memory_space<vmem>>, %arg12: memref<!tpu.dma_semaphore, #tpu.memory_space<semaphore_mem>>, %arg13: memref<!tpu.dma_semaphore, #tpu.memory_space<semaphore_mem>>) attributes {dimension_semantics = [#tpu.dimension_semantics<core_parallel>, #tpu.dimension_semantics<subcore_parallel>], iteration_bounds = array<i64: 2, 16>, scalar_prefetch = 0 : i64, scratch_operands = 6 : i64, tpu.core_type = #tpu.core_type<sc_vector_subcore>, window_params = [{transform_indices = #map}, {transform_indices = #map}, {transform_indices = #map1}, {transform_indices = #map1}, {transform_indices = #map}, {transform_indices = #map}]} {
    %mul3A = arith.constant 2 : i32
    %mul3A_0 = arith.muli %arg1, %mul3A : i32
    %add3A = arith.addi %mul3A_0, %arg0 : i32
    %scan3A = arith.constant 0 : i32
    %scan3A_1 = arith.constant 0 : i32
    %scan3A_2 = arith.constant 125 : i32
    %scan3A_3 = arith.addi %scan3A_1, %scan3A_2 : i32
    %scan3A_4 = arith.constant 1 : i32
    scf.for %scan3A_6 = %scan3A_1 to %scan3A_3 step %scan3A_4  : i32 {
      %mul3A_7 = arith.constant 10000 : i32
      %mul3A_8 = arith.muli %add3A, %mul3A_7 : i32
      %mul3A_9 = arith.constant 80 : i32
      %mul3A_10 = arith.muli %scan3A_6, %mul3A_9 : i32
      %add3A_11 = arith.addi %mul3A_8, %mul3A_10 : i32
      "tpu.region"() ({
        %run_scoped3A = tpu.sem_alloc : memref<!tpu.dma_semaphore, #tpu.memory_space<semaphore_mem>>
        %dma_start3A_22 = tpu.memref_slice %arg4[%add3A_11] : memref<320000xi32, #tpu.memory_space<hbm>> -> memref<80xi32, #tpu.memory_space<hbm>>
        %dma_start3A_23 = tpu.memref_slice %arg4[%add3A_11] : memref<320000xi32, #tpu.memory_space<hbm>> -> memref<80xi32, #tpu.memory_space<hbm>>
        tpu.enqueue_dma source(%dma_start3A_23 : memref<80xi32, #tpu.memory_space<hbm>>) target(%arg8 : memref<80xi32, #tpu.memory_space<vmem>>) target_semaphore(%run_scoped3A : memref<!tpu.dma_semaphore, #tpu.memory_space<semaphore_mem>>)
        %dma_wait3A_24 = tpu.memref_slice %arg4[%add3A_11] : memref<320000xi32, #tpu.memory_space<hbm>> -> memref<80xi32, #tpu.memory_space<hbm>>
        %dma_wait3A_25 = tpu.memref_slice %arg4[%add3A_11] : memref<320000xi32, #tpu.memory_space<hbm>> -> memref<80xi32, #tpu.memory_space<hbm>>
        tpu.wait_dma2 semaphore(%run_scoped3A : memref<!tpu.dma_semaphore, #tpu.memory_space<semaphore_mem>>) src(%dma_wait3A_25 : memref<80xi32, #tpu.memory_space<hbm>>) dst(%arg8 : memref<80xi32, #tpu.memory_space<vmem>>)
        tpu.yield
      }) : () -> ()
      "tpu.region"() ({
        %run_scoped3A = tpu.sem_alloc : memref<!tpu.dma_semaphore, #tpu.memory_space<semaphore_mem>>
        %dma_start3A_22 = tpu.memref_slice %arg5[%add3A_11] : memref<320000xi32, #tpu.memory_space<hbm>> -> memref<80xi32, #tpu.memory_space<hbm>>
        %dma_start3A_23 = tpu.memref_slice %arg5[%add3A_11] : memref<320000xi32, #tpu.memory_space<hbm>> -> memref<80xi32, #tpu.memory_space<hbm>>
        tpu.enqueue_dma source(%dma_start3A_23 : memref<80xi32, #tpu.memory_space<hbm>>) target(%arg9 : memref<80xi32, #tpu.memory_space<vmem>>) target_semaphore(%run_scoped3A : memref<!tpu.dma_semaphore, #tpu.memory_space<semaphore_mem>>)
        %dma_wait3A_24 = tpu.memref_slice %arg5[%add3A_11] : memref<320000xi32, #tpu.memory_space<hbm>> -> memref<80xi32, #tpu.memory_space<hbm>>
        %dma_wait3A_25 = tpu.memref_slice %arg5[%add3A_11] : memref<320000xi32, #tpu.memory_space<hbm>> -> memref<80xi32, #tpu.memory_space<hbm>>
        tpu.wait_dma2 semaphore(%run_scoped3A : memref<!tpu.dma_semaphore, #tpu.memory_space<semaphore_mem>>) src(%dma_wait3A_25 : memref<80xi32, #tpu.memory_space<hbm>>) dst(%arg9 : memref<80xi32, #tpu.memory_space<vmem>>)
        tpu.yield
      }) : () -> ()
      %dma_start3A = arith.constant 0 : i32
      %dma_start3A_12 = arith.constant 0 : i32
      %dma_start3A_13 = tpu.memref_slice %arg2[%dma_start3A, %dma_start3A_12] : memref<10000x128xf32, #tpu.memory_space<hbm>> -> memref<10000x128xf32, #tpu.memory_space<hbm>>
      tpu.enqueue_indirect_dma source(%dma_start3A_13 : memref<10000x128xf32, #tpu.memory_space<hbm>>) target(%arg10 : memref<80x128xf32, #tpu.memory_space<vmem>>) offsets(%arg8 : memref<80xi32, #tpu.memory_space<vmem>>) semaphore(%arg12 : memref<!tpu.dma_semaphore, #tpu.memory_space<semaphore_mem>>)
      %dma_start3A_14 = arith.constant 0 : i32
      %dma_start3A_15 = arith.constant 0 : i32
      %dma_start3A_16 = tpu.memref_slice %arg3[%dma_start3A_14, %dma_start3A_15] : memref<10000x128xf32, #tpu.memory_space<hbm>> -> memref<10000x128xf32, #tpu.memory_space<hbm>>
      tpu.enqueue_indirect_dma source(%dma_start3A_16 : memref<10000x128xf32, #tpu.memory_space<hbm>>) target(%arg11 : memref<80x128xf32, #tpu.memory_space<vmem>>) offsets(%arg9 : memref<80xi32, #tpu.memory_space<vmem>>) semaphore(%arg13 : memref<!tpu.dma_semaphore, #tpu.memory_space<semaphore_mem>>)
      %dma_wait3A = arith.constant 0 : i32
      %dma_wait3A_17 = arith.constant 0 : i32
      %dma_wait3A_18 = tpu.memref_slice %arg2[%dma_wait3A, %dma_wait3A_17] : memref<10000x128xf32, #tpu.memory_space<hbm>> -> memref<10000x128xf32, #tpu.memory_space<hbm>>
      tpu.wait_indirect_dma semaphore(%arg12 : memref<!tpu.dma_semaphore, #tpu.memory_space<semaphore_mem>>) src(%dma_wait3A_18 : memref<10000x128xf32, #tpu.memory_space<hbm>>) dst(%arg10 : memref<80x128xf32, #tpu.memory_space<vmem>>)
      %dma_wait3A_19 = arith.constant 0 : i32
      %dma_wait3A_20 = arith.constant 0 : i32
      %dma_wait3A_21 = tpu.memref_slice %arg3[%dma_wait3A_19, %dma_wait3A_20] : memref<10000x128xf32, #tpu.memory_space<hbm>> -> memref<10000x128xf32, #tpu.memory_space<hbm>>
      tpu.wait_indirect_dma semaphore(%arg13 : memref<!tpu.dma_semaphore, #tpu.memory_space<semaphore_mem>>) src(%dma_wait3A_21 : memref<10000x128xf32, #tpu.memory_space<hbm>>) dst(%arg11 : memref<80x128xf32, #tpu.memory_space<vmem>>)
      "tpu.region"() ({
        %run_scoped3A = tpu.sem_alloc : memref<!tpu.dma_semaphore, #tpu.memory_space<semaphore_mem>>
        %dma_start3A_22 = arith.constant 0 : i32
        %dma_start3A_23 = tpu.memref_slice %arg6[%add3A_11, %dma_start3A_22] : memref<320000x128xf32, #tpu.memory_space<hbm>> -> memref<80x128xf32, #tpu.memory_space<hbm>>
        %dma_start3A_24 = arith.constant 0 : i32
        %dma_start3A_25 = tpu.memref_slice %arg6[%add3A_11, %dma_start3A_24] : memref<320000x128xf32, #tpu.memory_space<hbm>> -> memref<80x128xf32, #tpu.memory_space<hbm>>
        tpu.enqueue_dma source(%arg10 : memref<80x128xf32, #tpu.memory_space<vmem>>) target(%dma_start3A_25 : memref<80x128xf32, #tpu.memory_space<hbm>>) target_semaphore(%run_scoped3A : memref<!tpu.dma_semaphore, #tpu.memory_space<semaphore_mem>>)
        %dma_wait3A_26 = arith.constant 0 : i32
        %dma_wait3A_27 = tpu.memref_slice %arg6[%add3A_11, %dma_wait3A_26] : memref<320000x128xf32, #tpu.memory_space<hbm>> -> memref<80x128xf32, #tpu.memory_space<hbm>>
        %dma_wait3A_28 = arith.constant 0 : i32
        %dma_wait3A_29 = tpu.memref_slice %arg6[%add3A_11, %dma_wait3A_28] : memref<320000x128xf32, #tpu.memory_space<hbm>> -> memref<80x128xf32, #tpu.memory_space<hbm>>
        tpu.wait_dma2 semaphore(%run_scoped3A : memref<!tpu.dma_semaphore, #tpu.memory_space<semaphore_mem>>) src(%arg10 : memref<80x128xf32, #tpu.memory_space<vmem>>) dst(%dma_wait3A_29 : memref<80x128xf32, #tpu.memory_space<hbm>>)
        tpu.yield
      }) : () -> ()
      "tpu.region"() ({
        %run_scoped3A = tpu.sem_alloc : memref<!tpu.dma_semaphore, #tpu.memory_space<semaphore_mem>>
        %dma_start3A_22 = arith.constant 0 : i32
        %dma_start3A_23 = tpu.memref_slice %arg7[%add3A_11, %dma_start3A_22] : memref<320000x128xf32, #tpu.memory_space<hbm>> -> memref<80x128xf32, #tpu.memory_space<hbm>>
        %dma_start3A_24 = arith.constant 0 : i32
        %dma_start3A_25 = tpu.memref_slice %arg7[%add3A_11, %dma_start3A_24] : memref<320000x128xf32, #tpu.memory_space<hbm>> -> memref<80x128xf32, #tpu.memory_space<hbm>>
        tpu.enqueue_dma source(%arg11 : memref<80x128xf32, #tpu.memory_space<vmem>>) target(%dma_start3A_25 : memref<80x128xf32, #tpu.memory_space<hbm>>) target_semaphore(%run_scoped3A : memref<!tpu.dma_semaphore, #tpu.memory_space<semaphore_mem>>)
        %dma_wait3A_26 = arith.constant 0 : i32
        %dma_wait3A_27 = tpu.memref_slice %arg7[%add3A_11, %dma_wait3A_26] : memref<320000x128xf32, #tpu.memory_space<hbm>> -> memref<80x128xf32, #tpu.memory_space<hbm>>
        %dma_wait3A_28 = arith.constant 0 : i32
        %dma_wait3A_29 = tpu.memref_slice %arg7[%add3A_11, %dma_wait3A_28] : memref<320000x128xf32, #tpu.memory_space<hbm>> -> memref<80x128xf32, #tpu.memory_space<hbm>>
        tpu.wait_dma2 semaphore(%run_scoped3A : memref<!tpu.dma_semaphore, #tpu.memory_space<semaphore_mem>>) src(%arg11 : memref<80x128xf32, #tpu.memory_space<vmem>>) dst(%dma_wait3A_29 : memref<80x128xf32, #tpu.memory_space<hbm>>)
        tpu.yield
      }) : () -> ()
    }
    %scan3A_5 = arith.constant 125 : i32
    return
  }
}

#map = affine_map<(d0, d1) -> (0, 0)>
#map1 = affine_map<(d0, d1) -> (0)>
module attributes {stable_mosaic.version = 14 : i64} {
  func.func @body(%arg0: i32, %arg1: i32, %arg2: memref<10000x128xf32, #tpu.memory_space<hbm>>, %arg3: memref<10000x128xf32, #tpu.memory_space<hbm>>, %arg4: memref<320000xi32, #tpu.memory_space<hbm>>, %arg5: memref<320000xi32, #tpu.memory_space<hbm>>, %arg6: memref<320000x128xf32, #tpu.memory_space<hbm>>, %arg7: memref<320000x128xf32, #tpu.memory_space<hbm>>, %arg8: memref<80xi32, #tpu.memory_space<vmem>>, %arg9: memref<80xi32, #tpu.memory_space<vmem>>, %arg10: memref<80x128xf32, #tpu.memory_space<vmem>>, %arg11: memref<80x128xf32, #tpu.memory_space<vmem>>, %arg12: memref<!tpu.dma_semaphore, #tpu.memory_space<semaphore_mem>>, %arg13: memref<!tpu.dma_semaphore, #tpu.memory_space<semaphore_mem>>) attributes {dimension_semantics = [#tpu.dimension_semantics<core_parallel>, #tpu.dimension_semantics<subcore_parallel>], iteration_bounds = array<i64: 2, 16>, scalar_prefetch = 0 : i64, scratch_operands = 6 : i64, tpu.core_type = #tpu.core_type<sc_vector_subcore>, window_params = [{transform_indices = #map}, {transform_indices = #map}, {transform_indices = #map1}, {transform_indices = #map1}, {transform_indices = #map}, {transform_indices = #map}]} {
    %mul3A = arith.constant 2 : i32
    %mul3A_0 = arith.muli %arg1, %mul3A : i32
    %add3A = arith.addi %mul3A_0, %arg0 : i32
    %scan3A = arith.constant 0 : i32
    %scan3A_1 = arith.constant 0 : i32
    %scan3A_2 = arith.constant 125 : i32
    %scan3A_3 = arith.addi %scan3A_1, %scan3A_2 : i32
    %scan3A_4 = arith.constant 1 : i32
    scf.for %scan3A_6 = %scan3A_1 to %scan3A_3 step %scan3A_4  : i32 {
      %mul3A_7 = arith.constant 10000 : i32
      %mul3A_8 = arith.muli %add3A, %mul3A_7 : i32
      %mul3A_9 = arith.constant 80 : i32
      %mul3A_10 = arith.muli %scan3A_6, %mul3A_9 : i32
      %add3A_11 = arith.addi %mul3A_8, %mul3A_10 : i32
      "tpu.region"() ({
        %run_scoped3A = tpu.sem_alloc : memref<!tpu.dma_semaphore, #tpu.memory_space<semaphore_mem>>
        %dma_start3A_22 = tpu.memref_slice %arg4[%add3A_11] : memref<320000xi32, #tpu.memory_space<hbm>> -> memref<80xi32, #tpu.memory_space<hbm>>
        %dma_start3A_23 = tpu.memref_slice %arg4[%add3A_11] : memref<320000xi32, #tpu.memory_space<hbm>> -> memref<80xi32, #tpu.memory_space<hbm>>
        tpu.enqueue_dma source(%dma_start3A_23 : memref<80xi32, #tpu.memory_space<hbm>>) target(%arg8 : memref<80xi32, #tpu.memory_space<vmem>>) target_semaphore(%run_scoped3A : memref<!tpu.dma_semaphore, #tpu.memory_space<semaphore_mem>>)
        %dma_wait3A_24 = tpu.memref_slice %arg4[%add3A_11] : memref<320000xi32, #tpu.memory_space<hbm>> -> memref<80xi32, #tpu.memory_space<hbm>>
        %dma_wait3A_25 = tpu.memref_slice %arg4[%add3A_11] : memref<320000xi32, #tpu.memory_space<hbm>> -> memref<80xi32, #tpu.memory_space<hbm>>
        tpu.wait_dma2 semaphore(%run_scoped3A : memref<!tpu.dma_semaphore, #tpu.memory_space<semaphore_mem>>) src(%dma_wait3A_25 : memref<80xi32, #tpu.memory_space<hbm>>) dst(%arg8 : memref<80xi32, #tpu.memory_space<vmem>>)
        tpu.yield
      }) : () -> ()
      "tpu.region"() ({
        %run_scoped3A = tpu.sem_alloc : memref<!tpu.dma_semaphore, #tpu.memory_space<semaphore_mem>>
        %dma_start3A_22 = tpu.memref_slice %arg5[%add3A_11] : memref<320000xi32, #tpu.memory_space<hbm>> -> memref<80xi32, #tpu.memory_space<hbm>>
        %dma_start3A_23 = tpu.memref_slice %arg5[%add3A_11] : memref<320000xi32, #tpu.memory_space<hbm>> -> memref<80xi32, #tpu.memory_space<hbm>>
        tpu.enqueue_dma source(%dma_start3A_23 : memref<80xi32, #tpu.memory_space<hbm>>) target(%arg9 : memref<80xi32, #tpu.memory_space<vmem>>) target_semaphore(%run_scoped3A : memref<!tpu.dma_semaphore, #tpu.memory_space<semaphore_mem>>)
        %dma_wait3A_24 = tpu.memref_slice %arg5[%add3A_11] : memref<320000xi32, #tpu.memory_space<hbm>> -> memref<80xi32, #tpu.memory_space<hbm>>
        %dma_wait3A_25 = tpu.memref_slice %arg5[%add3A_11] : memref<320000xi32, #tpu.memory_space<hbm>> -> memref<80xi32, #tpu.memory_space<hbm>>
        tpu.wait_dma2 semaphore(%run_scoped3A : memref<!tpu.dma_semaphore, #tpu.memory_space<semaphore_mem>>) src(%dma_wait3A_25 : memref<80xi32, #tpu.memory_space<hbm>>) dst(%arg9 : memref<80xi32, #tpu.memory_space<vmem>>)
        tpu.yield
      }) : () -> ()
      %dma_start3A = arith.constant 0 : i32
      %dma_start3A_12 = arith.constant 0 : i32
      %dma_start3A_13 = tpu.memref_slice %arg2[%dma_start3A, %dma_start3A_12] : memref<10000x128xf32, #tpu.memory_space<hbm>> -> memref<10000x128xf32, #tpu.memory_space<hbm>>
      tpu.enqueue_indirect_dma source(%dma_start3A_13 : memref<10000x128xf32, #tpu.memory_space<hbm>>) target(%arg10 : memref<80x128xf32, #tpu.memory_space<vmem>>) offsets(%arg8 : memref<80xi32, #tpu.memory_space<vmem>>) semaphore(%arg12 : memref<!tpu.dma_semaphore, #tpu.memory_space<semaphore_mem>>)
      %dma_start3A_14 = arith.constant 0 : i32
      %dma_start3A_15 = arith.constant 0 : i32
      %dma_start3A_16 = tpu.memref_slice %arg3[%dma_start3A_14, %dma_start3A_15] : memref<10000x128xf32, #tpu.memory_space<hbm>> -> memref<10000x128xf32, #tpu.memory_space<hbm>>
      tpu.enqueue_indirect_dma source(%dma_start3A_16 : memref<10000x128xf32, #tpu.memory_space<hbm>>) target(%arg11 : memref<80x128xf32, #tpu.memory_space<vmem>>) offsets(%arg9 : memref<80xi32, #tpu.memory_space<vmem>>) semaphore(%arg13 : memref<!tpu.dma_semaphore, #tpu.memory_space<semaphore_mem>>)
      %dma_wait3A = arith.constant 0 : i32
      %dma_wait3A_17 = arith.constant 0 : i32
      %dma_wait3A_18 = tpu.memref_slice %arg2[%dma_wait3A, %dma_wait3A_17] : memref<10000x128xf32, #tpu.memory_space<hbm>> -> memref<10000x128xf32, #tpu.memory_space<hbm>>
      tpu.wait_indirect_dma semaphore(%arg12 : memref<!tpu.dma_semaphore, #tpu.memory_space<semaphore_mem>>) src(%dma_wait3A_18 : memref<10000x128xf32, #tpu.memory_space<hbm>>) dst(%arg10 : memref<80x128xf32, #tpu.memory_space<vmem>>)
      %dma_wait3A_19 = arith.constant 0 : i32
      %dma_wait3A_20 = arith.constant 0 : i32
      %dma_wait3A_21 = tpu.memref_slice %arg3[%dma_wait3A_19, %dma_wait3A_20] : memref<10000x128xf32, #tpu.memory_space<hbm>> -> memref<10000x128xf32, #tpu.memory_space<hbm>>
      tpu.wait_indirect_dma semaphore(%arg13 : memref<!tpu.dma_semaphore, #tpu.memory_space<semaphore_mem>>) src(%dma_wait3A_21 : memref<10000x128xf32, #tpu.memory_space<hbm>>) dst(%arg11 : memref<80x128xf32, #tpu.memory_space<vmem>>)
      "tpu.region"() ({
        %run_scoped3A = tpu.sem_alloc : memref<!tpu.dma_semaphore, #tpu.memory_space<semaphore_mem>>
        %dma_start3A_22 = arith.constant 0 : i32
        %dma_start3A_23 = tpu.memref_slice %arg6[%add3A_11, %dma_start3A_22] : memref<320000x128xf32, #tpu.memory_space<hbm>> -> memref<80x128xf32, #tpu.memory_space<hbm>>
        %dma_start3A_24 = arith.constant 0 : i32
        %dma_start3A_25 = tpu.memref_slice %arg6[%add3A_11, %dma_start3A_24] : memref<320000x128xf32, #tpu.memory_space<hbm>> -> memref<80x128xf32, #tpu.memory_space<hbm>>
        tpu.enqueue_dma source(%arg10 : memref<80x128xf32, #tpu.memory_space<vmem>>) target(%dma_start3A_25 : memref<80x128xf32, #tpu.memory_space<hbm>>) target_semaphore(%run_scoped3A : memref<!tpu.dma_semaphore, #tpu.memory_space<semaphore_mem>>)
        %dma_wait3A_26 = arith.constant 0 : i32
        %dma_wait3A_27 = tpu.memref_slice %arg6[%add3A_11, %dma_wait3A_26] : memref<320000x128xf32, #tpu.memory_space<hbm>> -> memref<80x128xf32, #tpu.memory_space<hbm>>
        %dma_wait3A_28 = arith.constant 0 : i32
        %dma_wait3A_29 = tpu.memref_slice %arg6[%add3A_11, %dma_wait3A_28] : memref<320000x128xf32, #tpu.memory_space<hbm>> -> memref<80x128xf32, #tpu.memory_space<hbm>>
        tpu.wait_dma2 semaphore(%run_scoped3A : memref<!tpu.dma_semaphore, #tpu.memory_space<semaphore_mem>>) src(%arg10 : memref<80x128xf32, #tpu.memory_space<vmem>>) dst(%dma_wait3A_29 : memref<80x128xf32, #tpu.memory_space<hbm>>)
        tpu.yield
      }) : () -> ()
      "tpu.region"() ({
        %run_scoped3A = tpu.sem_alloc : memref<!tpu.dma_semaphore, #tpu.memory_space<semaphore_mem>>
        %dma_start3A_22 = arith.constant 0 : i32
        %dma_start3A_23 = tpu.memref_slice %arg7[%add3A_11, %dma_start3A_22] : memref<320000x128xf32, #tpu.memory_space<hbm>> -> memref<80x128xf32, #tpu.memory_space<hbm>>
        %dma_start3A_24 = arith.constant 0 : i32
        %dma_start3A_25 = tpu.memref_slice %arg7[%add3A_11, %dma_start3A_24] : memref<320000x128xf32, #tpu.memory_space<hbm>> -> memref<80x128xf32, #tpu.memory_space<hbm>>
        tpu.enqueue_dma source(%arg11 : memref<80x128xf32, #tpu.memory_space<vmem>>) target(%dma_start3A_25 : memref<80x128xf32, #tpu.memory_space<hbm>>) target_semaphore(%run_scoped3A : memref<!tpu.dma_semaphore, #tpu.memory_space<semaphore_mem>>)
        %dma_wait3A_26 = arith.constant 0 : i32
        %dma_wait3A_27 = tpu.memref_slice %arg7[%add3A_11, %dma_wait3A_26] : memref<320000x128xf32, #tpu.memory_space<hbm>> -> memref<80x128xf32, #tpu.memory_space<hbm>>
        %dma_wait3A_28 = arith.constant 0 : i32
        %dma_wait3A_29 = tpu.memref_slice %arg7[%add3A_11, %dma_wait3A_28] : memref<320000x128xf32, #tpu.memory_space<hbm>> -> memref<80x128xf32, #tpu.memory_space<hbm>>
        tpu.wait_dma2 semaphore(%run_scoped3A : memref<!tpu.dma_semaphore, #tpu.memory_space<semaphore_mem>>) src(%arg11 : memref<80x128xf32, #tpu.memory_space<vmem>>) dst(%dma_wait3A_29 : memref<80x128xf32, #tpu.memory_space<hbm>>)
        tpu.yield
      }) : () -> ()
    }
    %scan3A_5 = arith.constant 125 : i32
    return
  }
}

#map = affine_map<(d0, d1) -> (0, 0)>
#map1 = affine_map<(d0, d1) -> (0)>
module attributes {stable_mosaic.version = 14 : i64} {
  func.func @_segsum_body(%arg0: i32, %arg1: i32, %arg2: memref<320000x128xf32, #tpu.memory_space<hbm>>, %arg3: memref<320000xi32, #tpu.memory_space<hbm>>, %arg4: memref<10000x128xf32, #tpu.memory_space<hbm>>, %arg5: memref<20000x128xf32, #tpu.memory_space<hbm>>, %arg6: memref<80xi32, #tpu.memory_space<vmem>>, %arg7: memref<80x128xf32, #tpu.memory_space<vmem>>, %arg8: memref<10000x128xf32, #tpu.memory_space<vmem_shared>>) attributes {dimension_semantics = [#tpu.dimension_semantics<core_parallel>, #tpu.dimension_semantics<subcore_parallel>], iteration_bounds = array<i64: 2, 16>, scalar_prefetch = 0 : i64, scratch_operands = 3 : i64, tpu.core_type = #tpu.core_type<sc_vector_subcore>, window_params = [{transform_indices = #map}, {transform_indices = #map1}, {transform_indices = #map}, {transform_indices = #map}]} {
    %mul3A = arith.constant 2 : i32
    %mul3A_0 = arith.muli %arg1, %mul3A : i32
    %add3A = arith.addi %mul3A_0, %arg0 : i32
    %eq3A = arith.constant 0 : i32
    %eq3A_1 = arith.cmpi eq, %arg1, %eq3A : i32
    %convert_element_type3A = arith.extui %eq3A_1 : i1 to i32
    %cond3A = arith.constant 0 : i32
    %cond3A_2 = arith.cmpi ne, %convert_element_type3A, %cond3A : i32
    scf.if %cond3A_2 {
      "tpu.region"() ({
        %run_scoped3A = tpu.sem_alloc : memref<!tpu.dma_semaphore, #tpu.memory_space<semaphore_mem>>
        tpu.enqueue_dma source(%arg4 : memref<10000x128xf32, #tpu.memory_space<hbm>>) target(%arg8 : memref<10000x128xf32, #tpu.memory_space<vmem_shared>>) target_semaphore(%run_scoped3A : memref<!tpu.dma_semaphore, #tpu.memory_space<semaphore_mem>>)
        tpu.wait_dma2 semaphore(%run_scoped3A : memref<!tpu.dma_semaphore, #tpu.memory_space<semaphore_mem>>) src(%arg4 : memref<10000x128xf32, #tpu.memory_space<hbm>>) dst(%arg8 : memref<10000x128xf32, #tpu.memory_space<vmem_shared>>)
        tpu.yield
      }) : () -> ()
    } else {
    }
    %barrier3A = arith.constant 0 : index
    tpu.barrier barrier_id(%barrier3A)
    %scan3A = arith.constant 0 : i32
    %scan3A_3 = arith.constant 0 : i32
    %scan3A_4 = arith.constant 125 : i32
    %scan3A_5 = arith.addi %scan3A_3, %scan3A_4 : i32
    %scan3A_6 = arith.constant 1 : i32
    scf.for %scan3A_21 = %scan3A_3 to %scan3A_5 step %scan3A_6  : i32 {
      %mul3A_22 = arith.constant 10000 : i32
      %mul3A_23 = arith.muli %add3A, %mul3A_22 : i32
      %mul3A_24 = arith.constant 80 : i32
      %mul3A_25 = arith.muli %scan3A_21, %mul3A_24 : i32
      %add3A_26 = arith.addi %mul3A_23, %mul3A_25 : i32
      "tpu.region"() ({
        %run_scoped3A = tpu.sem_alloc : memref<!tpu.dma_semaphore, #tpu.memory_space<semaphore_mem>>
        %dma_start3A = tpu.memref_slice %arg3[%add3A_26] : memref<320000xi32, #tpu.memory_space<hbm>> -> memref<80xi32, #tpu.memory_space<hbm>>
        %dma_start3A_27 = tpu.memref_slice %arg3[%add3A_26] : memref<320000xi32, #tpu.memory_space<hbm>> -> memref<80xi32, #tpu.memory_space<hbm>>
        tpu.enqueue_dma source(%dma_start3A_27 : memref<80xi32, #tpu.memory_space<hbm>>) target(%arg6 : memref<80xi32, #tpu.memory_space<vmem>>) target_semaphore(%run_scoped3A : memref<!tpu.dma_semaphore, #tpu.memory_space<semaphore_mem>>)
        %dma_wait3A = tpu.memref_slice %arg3[%add3A_26] : memref<320000xi32, #tpu.memory_space<hbm>> -> memref<80xi32, #tpu.memory_space<hbm>>
        %dma_wait3A_28 = tpu.memref_slice %arg3[%add3A_26] : memref<320000xi32, #tpu.memory_space<hbm>> -> memref<80xi32, #tpu.memory_space<hbm>>
        tpu.wait_dma2 semaphore(%run_scoped3A : memref<!tpu.dma_semaphore, #tpu.memory_space<semaphore_mem>>) src(%dma_wait3A_28 : memref<80xi32, #tpu.memory_space<hbm>>) dst(%arg6 : memref<80xi32, #tpu.memory_space<vmem>>)
        tpu.yield
      }) : () -> ()
      "tpu.region"() ({
        %run_scoped3A = tpu.sem_alloc : memref<!tpu.dma_semaphore, #tpu.memory_space<semaphore_mem>>
        %dma_start3A = arith.constant 0 : i32
        %dma_start3A_27 = tpu.memref_slice %arg2[%add3A_26, %dma_start3A] : memref<320000x128xf32, #tpu.memory_space<hbm>> -> memref<80x128xf32, #tpu.memory_space<hbm>>
        %dma_start3A_28 = arith.constant 0 : i32
        %dma_start3A_29 = tpu.memref_slice %arg2[%add3A_26, %dma_start3A_28] : memref<320000x128xf32, #tpu.memory_space<hbm>> -> memref<80x128xf32, #tpu.memory_space<hbm>>
        tpu.enqueue_dma source(%dma_start3A_29 : memref<80x128xf32, #tpu.memory_space<hbm>>) target(%arg7 : memref<80x128xf32, #tpu.memory_space<vmem>>) target_semaphore(%run_scoped3A : memref<!tpu.dma_semaphore, #tpu.memory_space<semaphore_mem>>)
        %dma_wait3A = arith.constant 0 : i32
        %dma_wait3A_30 = tpu.memref_slice %arg2[%add3A_26, %dma_wait3A] : memref<320000x128xf32, #tpu.memory_space<hbm>> -> memref<80x128xf32, #tpu.memory_space<hbm>>
        %dma_wait3A_31 = arith.constant 0 : i32
        %dma_wait3A_32 = tpu.memref_slice %arg2[%add3A_26, %dma_wait3A_31] : memref<320000x128xf32, #tpu.memory_space<hbm>> -> memref<80x128xf32, #tpu.memory_space<hbm>>
        tpu.wait_dma2 semaphore(%run_scoped3A : memref<!tpu.dma_semaphore, #tpu.memory_space<semaphore_mem>>) src(%dma_wait3A_32 : memref<80x128xf32, #tpu.memory_space<hbm>>) dst(%arg7 : memref<80x128xf32, #tpu.memory_space<vmem>>)
        tpu.yield
      }) : () -> ()
      "tpu.region"() ({
        %run_scoped3A = tpu.sem_alloc : memref<!tpu.dma_semaphore, #tpu.memory_space<semaphore_mem>>
        %dma_start3A = arith.constant 0 : i32
        %dma_start3A_27 = arith.constant 0 : i32
        %dma_start3A_28 = tpu.memref_slice %arg8[%dma_start3A, %dma_start3A_27] : memref<10000x128xf32, #tpu.memory_space<vmem_shared>> -> memref<10000x128xf32, #tpu.memory_space<vmem_shared>>
        tpu.enqueue_indirect_dma source(%arg7 : memref<80x128xf32, #tpu.memory_space<vmem>>) target(%dma_start3A_28 : memref<10000x128xf32, #tpu.memory_space<vmem_shared>>) offsets(%arg6 : memref<80xi32, #tpu.memory_space<vmem>>) semaphore(%run_scoped3A : memref<!tpu.dma_semaphore, #tpu.memory_space<semaphore_mem>>) {add = true}
        %dma_wait3A = arith.constant 0 : i32
        %dma_wait3A_29 = arith.constant 0 : i32
        %dma_wait3A_30 = tpu.memref_slice %arg8[%dma_wait3A, %dma_wait3A_29] : memref<10000x128xf32, #tpu.memory_space<vmem_shared>> -> memref<10000x128xf32, #tpu.memory_space<vmem_shared>>
        tpu.wait_indirect_dma semaphore(%run_scoped3A : memref<!tpu.dma_semaphore, #tpu.memory_space<semaphore_mem>>) src(%arg7 : memref<80x128xf32, #tpu.memory_space<vmem>>) dst(%dma_wait3A_30 : memref<10000x128xf32, #tpu.memory_space<vmem_shared>>)
        tpu.yield
      }) : () -> ()
    }
    %scan3A_7 = arith.constant 125 : i32
    %barrier3A_8 = arith.constant 0 : index
    tpu.barrier barrier_id(%barrier3A_8)
    %mul3A_9 = arith.constant 624 : i32
    %mul3A_10 = arith.muli %arg1, %mul3A_9 : i32
    %mul3A_11 = arith.constant 10000 : i32
    %mul3A_12 = arith.muli %arg0, %mul3A_11 : i32
    %mul3A_13 = arith.constant 624 : i32
    %mul3A_14 = arith.muli %arg1, %mul3A_13 : i32
    %add3A_15 = arith.addi %mul3A_12, %mul3A_14 : i32
    "tpu.region"() ({
      %run_scoped3A = tpu.sem_alloc : memref<!tpu.dma_semaphore, #tpu.memory_space<semaphore_mem>>
      %dma_start3A = arith.constant 0 : i32
      %dma_start3A_21 = tpu.memref_slice %arg5[%add3A_15, %dma_start3A] : memref<20000x128xf32, #tpu.memory_space<hbm>> -> memref<624x128xf32, #tpu.memory_space<hbm>>
      %dma_start3A_22 = arith.constant 0 : i32
      %dma_start3A_23 = tpu.memref_slice %arg8[%mul3A_10, %dma_start3A_22] : memref<10000x128xf32, #tpu.memory_space<vmem_shared>> -> memref<624x128xf32, #tpu.memory_space<vmem_shared>>
      tpu.enqueue_dma source(%dma_start3A_23 : memref<624x128xf32, #tpu.memory_space<vmem_shared>>) target(%dma_start3A_21 : memref<624x128xf32, #tpu.memory_space<hbm>>) target_semaphore(%run_scoped3A : memref<!tpu.dma_semaphore, #tpu.memory_space<semaphore_mem>>)
      %dma_wait3A = arith.constant 0 : i32
      %dma_wait3A_24 = tpu.memref_slice %arg5[%add3A_15, %dma_wait3A] : memref<20000x128xf32, #tpu.memory_space<hbm>> -> memref<624x128xf32, #tpu.memory_space<hbm>>
      %dma_wait3A_25 = arith.constant 0 : i32
      %dma_wait3A_26 = tpu.memref_slice %arg8[%mul3A_10, %dma_wait3A_25] : memref<10000x128xf32, #tpu.memory_space<vmem_shared>> -> memref<624x128xf32, #tpu.memory_space<vmem_shared>>
      tpu.wait_dma2 semaphore(%run_scoped3A : memref<!tpu.dma_semaphore, #tpu.memory_space<semaphore_mem>>) src(%dma_wait3A_26 : memref<624x128xf32, #tpu.memory_space<vmem_shared>>) dst(%dma_wait3A_24 : memref<624x128xf32, #tpu.memory_space<hbm>>)
      tpu.yield
    }) : () -> ()
    %eq3A_16 = arith.constant 0 : i32
    %eq3A_17 = arith.cmpi eq, %arg1, %eq3A_16 : i32
    %convert_element_type3A_18 = arith.extui %eq3A_17 : i1 to i32
    %cond3A_19 = arith.constant 0 : i32
    %cond3A_20 = arith.cmpi ne, %convert_element_type3A_18, %cond3A_19 : i32
    scf.if %cond3A_20 {
      %mul3A_21 = arith.constant 10000 : i32
      %mul3A_22 = arith.muli %arg0, %mul3A_21 : i32
      %add3A_23 = arith.constant 9984 : i32
      %add3A_24 = arith.addi %mul3A_22, %add3A_23 : i32
      "tpu.region"() ({
        %run_scoped3A = tpu.sem_alloc : memref<!tpu.dma_semaphore, #tpu.memory_space<semaphore_mem>>
        %dma_start3A = arith.constant 0 : i32
        %dma_start3A_25 = tpu.memref_slice %arg5[%add3A_24, %dma_start3A] : memref<20000x128xf32, #tpu.memory_space<hbm>> -> memref<16x128xf32, #tpu.memory_space<hbm>>
        %dma_start3A_26 = arith.constant 9984 : i32
        %dma_start3A_27 = arith.constant 0 : i32
        %dma_start3A_28 = tpu.memref_slice %arg8[%dma_start3A_26, %dma_start3A_27] : memref<10000x128xf32, #tpu.memory_space<vmem_shared>> -> memref<16x128xf32, #tpu.memory_space<vmem_shared>>
        tpu.enqueue_dma source(%dma_start3A_28 : memref<16x128xf32, #tpu.memory_space<vmem_shared>>) target(%dma_start3A_25 : memref<16x128xf32, #tpu.memory_space<hbm>>) target_semaphore(%run_scoped3A : memref<!tpu.dma_semaphore, #tpu.memory_space<semaphore_mem>>)
        %dma_wait3A = arith.constant 0 : i32
        %dma_wait3A_29 = tpu.memref_slice %arg5[%add3A_24, %dma_wait3A] : memref<20000x128xf32, #tpu.memory_space<hbm>> -> memref<16x128xf32, #tpu.memory_space<hbm>>
        %dma_wait3A_30 = arith.constant 9984 : i32
        %dma_wait3A_31 = arith.constant 0 : i32
        %dma_wait3A_32 = tpu.memref_slice %arg8[%dma_wait3A_30, %dma_wait3A_31] : memref<10000x128xf32, #tpu.memory_space<vmem_shared>> -> memref<16x128xf32, #tpu.memory_space<vmem_shared>>
        tpu.wait_dma2 semaphore(%run_scoped3A : memref<!tpu.dma_semaphore, #tpu.memory_space<semaphore_mem>>) src(%dma_wait3A_32 : memref<16x128xf32, #tpu.memory_space<vmem_shared>>) dst(%dma_wait3A_29 : memref<16x128xf32, #tpu.memory_space<hbm>>)
        tpu.yield
      }) : () -> ()
    } else {
    }
    return
  }
}

module attributes {stable_mosaic.version = 14 : i64} {
  func.func @_prep_body(%arg0: i32, %arg1: memref<2000x32xf32, #tpu.memory_space<vmem>>, %arg2: memref<32x128xf32, #tpu.memory_space<vmem>>, %arg3: memref<2000x128xf32, #tpu.memory_space<vmem>>, %arg4: memref<2000x128xf32, #tpu.memory_space<vmem>>) attributes {dimension_semantics = [#tpu.dimension_semantics<arbitrary>], iteration_bounds = array<i64: 5>, scalar_prefetch = 0 : i64, scratch_operands = 0 : i64, tpu.core_type = #tpu.core_type<tc>, window_params = [{transform_indices = @transform_0, window_bounds = array<i64: 2000, 32>}, {pipeline_mode = #tpu.pipeline_mode<synchronous>, transform_indices = @transform_1, window_bounds = array<i64: 32, 128>}, {transform_indices = @transform_2, window_bounds = array<i64: 2000, 128>}, {transform_indices = @transform_3, window_bounds = array<i64: 2000, 128>}]} {
    %get3A = arith.constant 0 : index
    %get3A_0 = arith.constant 0 : index
    %get3A_1 = vector.load %arg1[%get3A, %get3A_0] : memref<2000x32xf32, #tpu.memory_space<vmem>>, vector<2000x32xf32>
    %get3A_2 = arith.constant 0 : index
    %get3A_3 = arith.constant 0 : index
    %get3A_4 = vector.load %arg2[%get3A_2, %get3A_3] : memref<32x128xf32, #tpu.memory_space<vmem>>, vector<32x128xf32>
    %dot_general3A = arith.constant dense<0.000000e+00> : vector<2000x128xf32>
    %dot_general3A_5 = tpu.matmul %get3A_1, %get3A_4, %dot_general3A {dimension_numbers = #tpu.dot_dimension_numbers<[1], [0], [0], [1], [0, 0, 1, 1], [], []>, transpose_lhs_hint = false} : vector<2000x32xf32>, vector<32x128xf32>, vector<2000x128xf32> -> vector<2000x128xf32>
    %swap3A = arith.constant 0 : index
    %swap3A_6 = arith.constant 0 : index
    %swap3A_7 = vector.load %arg3[%swap3A, %swap3A_6] : memref<2000x128xf32, #tpu.memory_space<vmem>>, vector<2000x128xf32>
    tpu.vector_store %arg3[%swap3A, %swap3A_6], %dot_general3A_5 {strides = array<i32>} : memref<2000x128xf32, #tpu.memory_space<vmem>>, vector<2000x128xf32>,
    %neg3A = arith.constant 0.000000e+00 : f32
    %neg3A_8 = vector.broadcast %neg3A : f32 to vector<2000x128xf32>
    %neg3A_9 = arith.subf %neg3A_8, %dot_general3A_5 : vector<2000x128xf32>
    %swap3A_10 = arith.constant 0 : index
    %swap3A_11 = arith.constant 0 : index
    %swap3A_12 = vector.load %arg4[%swap3A_10, %swap3A_11] : memref<2000x128xf32, #tpu.memory_space<vmem>>, vector<2000x128xf32>
    tpu.vector_store %arg4[%swap3A_10, %swap3A_11], %neg3A_9 {strides = array<i32>} : memref<2000x128xf32, #tpu.memory_space<vmem>>, vector<2000x128xf32>,
    return
  }
  func.func @transform_0(%arg0: i32) -> (i32, i32) {
    %c0_i32 = arith.constant 0 : i32
    %c0_i32_0 = arith.constant 0 : i32
    return %arg0, %c0_i32 : i32, i32
  }
  func.func @transform_1(%arg0: i32) -> (i32, i32) {
    %c0_i32 = arith.constant 0 : i32
    %c0_i32_0 = arith.constant 0 : i32
    %c0_i32_1 = arith.constant 0 : i32
    return %c0_i32, %c0_i32_0 : i32, i32
  }
  func.func @transform_2(%arg0: i32) -> (i32, i32) {
    %c0_i32 = arith.constant 0 : i32
    %c0_i32_0 = arith.constant 0 : i32
    return %arg0, %c0_i32 : i32, i32
  }
  func.func @transform_3(%arg0: i32) -> (i32, i32) {
    %c0_i32 = arith.constant 0 : i32
    %c0_i32_0 = arith.constant 0 : i32
    return %arg0, %c0_i32 : i32, i32
  }
}

module attributes {stable_mosaic.version = 14 : i64} {
  func.func @_edge_mlp1_body(%arg0: i32, %arg1: memref<2560x128xf32, #tpu.memory_space<vmem>>, %arg2: memref<2560x32xf32, #tpu.memory_space<vmem>>, %arg3: memref<2560x128xf32, #tpu.memory_space<vmem>>, %arg4: memref<2560x128xf32, #tpu.memory_space<vmem>>, %arg5: memref<128x128xf32, #tpu.memory_space<vmem>>, %arg6: memref<32x128xf32, #tpu.memory_space<vmem>>, %arg7: memref<1x128xf32, #tpu.memory_space<vmem>>, %arg8: memref<128x128xf32, #tpu.memory_space<vmem>>, %arg9: memref<1x128xf32, #tpu.memory_space<vmem>>, %arg10: memref<2560x128xf32, #tpu.memory_space<vmem>>) attributes {dimension_semantics = [#tpu.dimension_semantics<arbitrary>], iteration_bounds = array<i64: 125>, scalar_prefetch = 0 : i64, scratch_operands = 0 : i64, tpu.core_type = #tpu.core_type<tc>, window_params = [{transform_indices = @transform_0, window_bounds = array<i64: 2560, 128>}, {transform_indices = @transform_1, window_bounds = array<i64: 2560, 32>}, {transform_indices = @transform_2, window_bounds = array<i64: 2560, 128>}, {transform_indices = @transform_3, window_bounds = array<i64: 2560, 128>}, {pipeline_mode = #tpu.pipeline_mode<synchronous>, transform_indices = @transform_4, window_bounds = array<i64: 128, 128>}, {pipeline_mode = #tpu.pipeline_mode<synchronous>, transform_indices = @transform_5, window_bounds = array<i64: 32, 128>}, {pipeline_mode = #tpu.pipeline_mode<synchronous>, transform_indices = @transform_6, window_bounds = array<i64: 1, 128>}, {pipeline_mode = #tpu.pipeline_mode<synchronous>, transform_indices = @transform_7, window_bounds = array<i64: 128, 128>}, {pipeline_mode = #tpu.pipeline_mode<synchronous>, transform_indices = @transform_8, window_bounds = array<i64: 1, 128>}, {transform_indices = @transform_9, window_bounds = array<i64: 2560, 128>}]} {
    %get3A = arith.constant 0 : index
    %get3A_0 = arith.constant 0 : index
    %get3A_1 = vector.load %arg1[%get3A, %get3A_0] : memref<2560x128xf32, #tpu.memory_space<vmem>>, vector<2560x128xf32>
    %get3A_2 = arith.constant 0 : index
    %get3A_3 = arith.constant 0 : index
    %get3A_4 = vector.load %arg5[%get3A_2, %get3A_3] : memref<128x128xf32, #tpu.memory_space<vmem>>, vector<128x128xf32>
    %dot_general3A = arith.constant dense<0.000000e+00> : vector<2560x128xf32>
    %dot_general3A_5 = tpu.matmul %get3A_1, %get3A_4, %dot_general3A {dimension_numbers = #tpu.dot_dimension_numbers<[1], [0], [0], [1], [0, 0, 1, 1], [], []>, transpose_lhs_hint = false} : vector<2560x128xf32>, vector<128x128xf32>, vector<2560x128xf32> -> vector<2560x128xf32>
    %get3A_6 = arith.constant 0 : index
    %get3A_7 = arith.constant 0 : index
    %get3A_8 = vector.load %arg2[%get3A_6, %get3A_7] : memref<2560x32xf32, #tpu.memory_space<vmem>>, vector<2560x32xf32>
    %get3A_9 = arith.constant 0 : index
    %get3A_10 = arith.constant 0 : index
    %get3A_11 = vector.load %arg6[%get3A_9, %get3A_10] : memref<32x128xf32, #tpu.memory_space<vmem>>, vector<32x128xf32>
    %dot_general3A_12 = arith.constant dense<0.000000e+00> : vector<2560x128xf32>
    %dot_general3A_13 = tpu.matmul %get3A_8, %get3A_11, %dot_general3A_12 {dimension_numbers = #tpu.dot_dimension_numbers<[1], [0], [0], [1], [0, 0, 1, 1], [], []>, transpose_lhs_hint = false} : vector<2560x32xf32>, vector<32x128xf32>, vector<2560x128xf32> -> vector<2560x128xf32>
    %add3A = arith.addf %dot_general3A_5, %dot_general3A_13 : vector<2560x128xf32>
    %get3A_14 = arith.constant 0 : index
    %get3A_15 = arith.constant 0 : index
    %get3A_16 = vector.load %arg3[%get3A_14, %get3A_15] : memref<2560x128xf32, #tpu.memory_space<vmem>>, vector<2560x128xf32>
    %add3A_17 = arith.addf %add3A, %get3A_16 : vector<2560x128xf32>
    %get3A_18 = arith.constant 0 : index
    %get3A_19 = arith.constant 0 : index
    %get3A_20 = vector.load %arg4[%get3A_18, %get3A_19] : memref<2560x128xf32, #tpu.memory_space<vmem>>, vector<2560x128xf32>
    %add3A_21 = arith.addf %add3A_17, %get3A_20 : vector<2560x128xf32>
    %get3A_22 = arith.constant 0 : index
    %get3A_23 = arith.constant 0 : index
    %get3A_24 = vector.load %arg7[%get3A_22, %get3A_23] : memref<1x128xf32, #tpu.memory_space<vmem>>, vector<1x128xf32>
    %add3A_25 = vector.broadcast %get3A_24 : vector<1x128xf32> to vector<2560x128xf32>
    %add3A_26 = arith.addf %add3A_21, %add3A_25 : vector<2560x128xf32>
    %max3A = arith.constant 0.000000e+00 : f32
    %max3A_27 = vector.broadcast %max3A : f32 to vector<2560x128xf32>
    %max3A_28 = arith.maximumf %add3A_26, %max3A_27 : vector<2560x128xf32>
    %get3A_29 = arith.constant 0 : index
    %get3A_30 = arith.constant 0 : index
    %get3A_31 = vector.load %arg8[%get3A_29, %get3A_30] : memref<128x128xf32, #tpu.memory_space<vmem>>, vector<128x128xf32>
    %dot_general3A_32 = arith.constant dense<0.000000e+00> : vector<2560x128xf32>
    %dot_general3A_33 = tpu.matmul %max3A_28, %get3A_31, %dot_general3A_32 {dimension_numbers = #tpu.dot_dimension_numbers<[1], [0], [0], [1], [0, 0, 1, 1], [], []>, transpose_lhs_hint = false} : vector<2560x128xf32>, vector<128x128xf32>, vector<2560x128xf32> -> vector<2560x128xf32>
    %get3A_34 = arith.constant 0 : index
    %get3A_35 = arith.constant 0 : index
    %get3A_36 = vector.load %arg9[%get3A_34, %get3A_35] : memref<1x128xf32, #tpu.memory_space<vmem>>, vector<1x128xf32>
    %add3A_37 = vector.broadcast %get3A_36 : vector<1x128xf32> to vector<2560x128xf32>
    %add3A_38 = arith.addf %dot_general3A_33, %add3A_37 : vector<2560x128xf32>
    %swap3A = arith.constant 0 : index
    %swap3A_39 = arith.constant 0 : index
    %swap3A_40 = vector.load %arg10[%swap3A, %swap3A_39] : memref<2560x128xf32, #tpu.memory_space<vmem>>, vector<2560x128xf32>
    tpu.vector_store %arg10[%swap3A, %swap3A_39], %add3A_38 {strides = array<i32>} : memref<2560x128xf32, #tpu.memory_space<vmem>>, vector<2560x128xf32>,
    return
  }
  func.func @transform_0(%arg0: i32) -> (i32, i32) {
    %c0_i32 = arith.constant 0 : i32
    %c0_i32_0 = arith.constant 0 : i32
    return %arg0, %c0_i32 : i32, i32
  }
  func.func @transform_1(%arg0: i32) -> (i32, i32) {
    %c0_i32 = arith.constant 0 : i32
    %c0_i32_0 = arith.constant 0 : i32
    return %arg0, %c0_i32 : i32, i32
  }
  func.func @transform_2(%arg0: i32) -> (i32, i32) {
    %c0_i32 = arith.constant 0 : i32
    %c0_i32_0 = arith.constant 0 : i32
    return %arg0, %c0_i32 : i32, i32
  }
  func.func @transform_3(%arg0: i32) -> (i32, i32) {
    %c0_i32 = arith.constant 0 : i32
    %c0_i32_0 = arith.constant 0 : i32
    return %arg0, %c0_i32 : i32, i32
  }
  func.func @transform_4(%arg0: i32) -> (i32, i32) {
    %c0_i32 = arith.constant 0 : i32
    %c0_i32_0 = arith.constant 0 : i32
    %c0_i32_1 = arith.constant 0 : i32
    return %c0_i32, %c0_i32_0 : i32, i32
  }
  func.func @transform_5(%arg0: i32) -> (i32, i32) {
    %c0_i32 = arith.constant 0 : i32
    %c0_i32_0 = arith.constant 0 : i32
    %c0_i32_1 = arith.constant 0 : i32
    return %c0_i32, %c0_i32_0 : i32, i32
  }
  func.func @transform_6(%arg0: i32) -> (i32, i32) {
    %c0_i32 = arith.constant 0 : i32
    %c0_i32_0 = arith.constant 0 : i32
    %c0_i32_1 = arith.constant 0 : i32
    return %c0_i32, %c0_i32_0 : i32, i32
  }
  func.func @transform_7(%arg0: i32) -> (i32, i32) {
    %c0_i32 = arith.constant 0 : i32
    %c0_i32_0 = arith.constant 0 : i32
    %c0_i32_1 = arith.constant 0 : i32
    return %c0_i32, %c0_i32_0 : i32, i32
  }
  func.func @transform_8(%arg0: i32) -> (i32, i32) {
    %c0_i32 = arith.constant 0 : i32
    %c0_i32_0 = arith.constant 0 : i32
    %c0_i32_1 = arith.constant 0 : i32
    return %c0_i32, %c0_i32_0 : i32, i32
  }
  func.func @transform_9(%arg0: i32) -> (i32, i32) {
    %c0_i32 = arith.constant 0 : i32
    %c0_i32_0 = arith.constant 0 : i32
    return %arg0, %c0_i32 : i32, i32
  }
}

module attributes {stable_mosaic.version = 14 : i64} {
  func.func @_node_body(%arg0: i32, %arg1: memref<2000x128xf32, #tpu.memory_space<vmem>>, %arg2: memref<2000x128xf32, #tpu.memory_space<vmem>>, %arg3: memref<2000x32xf32, #tpu.memory_space<vmem>>, %arg4: memref<128x128xf32, #tpu.memory_space<vmem>>, %arg5: memref<32x128xf32, #tpu.memory_space<vmem>>, %arg6: memref<1x128xf32, #tpu.memory_space<vmem>>, %arg7: memref<128x128xf32, #tpu.memory_space<vmem>>, %arg8: memref<1x128xf32, #tpu.memory_space<vmem>>, %arg9: memref<128x128xf32, #tpu.memory_space<vmem>>, %arg10: memref<128x128xf32, #tpu.memory_space<vmem>>, %arg11: memref<32x128xf32, #tpu.memory_space<vmem>>, %arg12: memref<2000x128xf32, #tpu.memory_space<vmem>>, %arg13: memref<2000x128xf32, #tpu.memory_space<vmem>>, %arg14: memref<2000x128xf32, #tpu.memory_space<vmem>>, %arg15: memref<2000x128xf32, #tpu.memory_space<vmem>>) attributes {dimension_semantics = [#tpu.dimension_semantics<arbitrary>], iteration_bounds = array<i64: 5>, scalar_prefetch = 0 : i64, scratch_operands = 0 : i64, tpu.core_type = #tpu.core_type<tc>, window_params = [{transform_indices = @transform_0, window_bounds = array<i64: 2000, 128>}, {transform_indices = @transform_1, window_bounds = array<i64: 2000, 128>}, {transform_indices = @transform_2, window_bounds = array<i64: 2000, 32>}, {pipeline_mode = #tpu.pipeline_mode<synchronous>, transform_indices = @transform_3, window_bounds = array<i64: 128, 128>}, {pipeline_mode = #tpu.pipeline_mode<synchronous>, transform_indices = @transform_4, window_bounds = array<i64: 32, 128>}, {pipeline_mode = #tpu.pipeline_mode<synchronous>, transform_indices = @transform_5, window_bounds = array<i64: 1, 128>}, {pipeline_mode = #tpu.pipeline_mode<synchronous>, transform_indices = @transform_6, window_bounds = array<i64: 128, 128>}, {pipeline_mode = #tpu.pipeline_mode<synchronous>, transform_indices = @transform_7, window_bounds = array<i64: 1, 128>}, {pipeline_mode = #tpu.pipeline_mode<synchronous>, transform_indices = @transform_8, window_bounds = array<i64: 128, 128>}, {pipeline_mode = #tpu.pipeline_mode<synchronous>, transform_indices = @transform_9, window_bounds = array<i64: 128, 128>}, {pipeline_mode = #tpu.pipeline_mode<synchronous>, transform_indices = @transform_10, window_bounds = array<i64: 32, 128>}, {transform_indices = @transform_11, window_bounds = array<i64: 2000, 128>}, {transform_indices = @transform_12, window_bounds = array<i64: 2000, 128>}, {transform_indices = @transform_13, window_bounds = array<i64: 2000, 128>}, {transform_indices = @transform_14, window_bounds = array<i64: 2000, 128>}]} {
    %get3A = arith.constant 0 : index
    %get3A_0 = arith.constant 0 : index
    %get3A_1 = vector.load %arg1[%get3A, %get3A_0] : memref<2000x128xf32, #tpu.memory_space<vmem>>, vector<2000x128xf32>
    %get3A_2 = arith.constant 0 : index
    %get3A_3 = arith.constant 0 : index
    %get3A_4 = vector.load %arg2[%get3A_2, %get3A_3] : memref<2000x128xf32, #tpu.memory_space<vmem>>, vector<2000x128xf32>
    %add3A = arith.addf %get3A_1, %get3A_4 : vector<2000x128xf32>
    %swap3A = arith.constant 0 : index
    %swap3A_5 = arith.constant 0 : index
    %swap3A_6 = vector.load %arg12[%swap3A, %swap3A_5] : memref<2000x128xf32, #tpu.memory_space<vmem>>, vector<2000x128xf32>
    tpu.vector_store %arg12[%swap3A, %swap3A_5], %add3A {strides = array<i32>} : memref<2000x128xf32, #tpu.memory_space<vmem>>, vector<2000x128xf32>,
    %get3A_7 = arith.constant 0 : index
    %get3A_8 = arith.constant 0 : index
    %get3A_9 = vector.load %arg4[%get3A_7, %get3A_8] : memref<128x128xf32, #tpu.memory_space<vmem>>, vector<128x128xf32>
    %dot_general3A = arith.constant dense<0.000000e+00> : vector<2000x128xf32>
    %dot_general3A_10 = tpu.matmul %add3A, %get3A_9, %dot_general3A {dimension_numbers = #tpu.dot_dimension_numbers<[1], [0], [0], [1], [0, 0, 1, 1], [], []>, transpose_lhs_hint = false} : vector<2000x128xf32>, vector<128x128xf32>, vector<2000x128xf32> -> vector<2000x128xf32>
    %get3A_11 = arith.constant 0 : index
    %get3A_12 = arith.constant 0 : index
    %get3A_13 = vector.load %arg3[%get3A_11, %get3A_12] : memref<2000x32xf32, #tpu.memory_space<vmem>>, vector<2000x32xf32>
    %get3A_14 = arith.constant 0 : index
    %get3A_15 = arith.constant 0 : index
    %get3A_16 = vector.load %arg5[%get3A_14, %get3A_15] : memref<32x128xf32, #tpu.memory_space<vmem>>, vector<32x128xf32>
    %dot_general3A_17 = arith.constant dense<0.000000e+00> : vector<2000x128xf32>
    %dot_general3A_18 = tpu.matmul %get3A_13, %get3A_16, %dot_general3A_17 {dimension_numbers = #tpu.dot_dimension_numbers<[1], [0], [0], [1], [0, 0, 1, 1], [], []>, transpose_lhs_hint = false} : vector<2000x32xf32>, vector<32x128xf32>, vector<2000x128xf32> -> vector<2000x128xf32>
    %add3A_19 = arith.addf %dot_general3A_10, %dot_general3A_18 : vector<2000x128xf32>
    %get3A_20 = arith.constant 0 : index
    %get3A_21 = arith.constant 0 : index
    %get3A_22 = vector.load %arg6[%get3A_20, %get3A_21] : memref<1x128xf32, #tpu.memory_space<vmem>>, vector<1x128xf32>
    %add3A_23 = vector.broadcast %get3A_22 : vector<1x128xf32> to vector<2000x128xf32>
    %add3A_24 = arith.addf %add3A_19, %add3A_23 : vector<2000x128xf32>
    %max3A = arith.constant 0.000000e+00 : f32
    %max3A_25 = vector.broadcast %max3A : f32 to vector<2000x128xf32>
    %max3A_26 = arith.maximumf %add3A_24, %max3A_25 : vector<2000x128xf32>
    %get3A_27 = arith.constant 0 : index
    %get3A_28 = arith.constant 0 : index
    %get3A_29 = vector.load %arg7[%get3A_27, %get3A_28] : memref<128x128xf32, #tpu.memory_space<vmem>>, vector<128x128xf32>
    %dot_general3A_30 = arith.constant dense<0.000000e+00> : vector<2000x128xf32>
    %dot_general3A_31 = tpu.matmul %max3A_26, %get3A_29, %dot_general3A_30 {dimension_numbers = #tpu.dot_dimension_numbers<[1], [0], [0], [1], [0, 0, 1, 1], [], []>, transpose_lhs_hint = false} : vector<2000x128xf32>, vector<128x128xf32>, vector<2000x128xf32> -> vector<2000x128xf32>
    %get3A_32 = arith.constant 0 : index
    %get3A_33 = arith.constant 0 : index
    %get3A_34 = vector.load %arg8[%get3A_32, %get3A_33] : memref<1x128xf32, #tpu.memory_space<vmem>>, vector<1x128xf32>
    %add3A_35 = vector.broadcast %get3A_34 : vector<1x128xf32> to vector<2000x128xf32>
    %add3A_36 = arith.addf %dot_general3A_31, %add3A_35 : vector<2000x128xf32>
    %swap3A_37 = arith.constant 0 : index
    %swap3A_38 = arith.constant 0 : index
    %swap3A_39 = vector.load %arg13[%swap3A_37, %swap3A_38] : memref<2000x128xf32, #tpu.memory_space<vmem>>, vector<2000x128xf32>
    tpu.vector_store %arg13[%swap3A_37, %swap3A_38], %add3A_36 {strides = array<i32>} : memref<2000x128xf32, #tpu.memory_space<vmem>>, vector<2000x128xf32>,
    %get3A_40 = arith.constant 0 : index
    %get3A_41 = arith.constant 0 : index
    %get3A_42 = vector.load %arg3[%get3A_40, %get3A_41] : memref<2000x32xf32, #tpu.memory_space<vmem>>, vector<2000x32xf32>
    %get3A_43 = arith.constant 0 : index
    %get3A_44 = arith.constant 0 : index
    %get3A_45 = vector.load %arg11[%get3A_43, %get3A_44] : memref<32x128xf32, #tpu.memory_space<vmem>>, vector<32x128xf32>
    %dot_general3A_46 = arith.constant dense<0.000000e+00> : vector<2000x128xf32>
    %dot_general3A_47 = tpu.matmul %get3A_42, %get3A_45, %dot_general3A_46 {dimension_numbers = #tpu.dot_dimension_numbers<[1], [0], [0], [1], [0, 0, 1, 1], [], []>, transpose_lhs_hint = false} : vector<2000x32xf32>, vector<32x128xf32>, vector<2000x128xf32> -> vector<2000x128xf32>
    %get3A_48 = arith.constant 0 : index
    %get3A_49 = arith.constant 0 : index
    %get3A_50 = vector.load %arg9[%get3A_48, %get3A_49] : memref<128x128xf32, #tpu.memory_space<vmem>>, vector<128x128xf32>
    %dot_general3A_51 = arith.constant dense<0.000000e+00> : vector<2000x128xf32>
    %dot_general3A_52 = tpu.matmul %add3A_36, %get3A_50, %dot_general3A_51 {dimension_numbers = #tpu.dot_dimension_numbers<[1], [0], [0], [1], [0, 0, 1, 1], [], []>, transpose_lhs_hint = false} : vector<2000x128xf32>, vector<128x128xf32>, vector<2000x128xf32> -> vector<2000x128xf32>
    %add3A_53 = arith.addf %dot_general3A_52, %dot_general3A_47 : vector<2000x128xf32>
    %swap3A_54 = arith.constant 0 : index
    %swap3A_55 = arith.constant 0 : index
    %swap3A_56 = vector.load %arg14[%swap3A_54, %swap3A_55] : memref<2000x128xf32, #tpu.memory_space<vmem>>, vector<2000x128xf32>
    tpu.vector_store %arg14[%swap3A_54, %swap3A_55], %add3A_53 {strides = array<i32>} : memref<2000x128xf32, #tpu.memory_space<vmem>>, vector<2000x128xf32>,
    %get3A_57 = arith.constant 0 : index
    %get3A_58 = arith.constant 0 : index
    %get3A_59 = vector.load %arg10[%get3A_57, %get3A_58] : memref<128x128xf32, #tpu.memory_space<vmem>>, vector<128x128xf32>
    %dot_general3A_60 = arith.constant dense<0.000000e+00> : vector<2000x128xf32>
    %dot_general3A_61 = tpu.matmul %add3A_36, %get3A_59, %dot_general3A_60 {dimension_numbers = #tpu.dot_dimension_numbers<[1], [0], [0], [1], [0, 0, 1, 1], [], []>, transpose_lhs_hint = false} : vector<2000x128xf32>, vector<128x128xf32>, vector<2000x128xf32> -> vector<2000x128xf32>
    %sub3A = arith.subf %dot_general3A_61, %dot_general3A_47 : vector<2000x128xf32>
    %swap3A_62 = arith.constant 0 : index
    %swap3A_63 = arith.constant 0 : index
    %swap3A_64 = vector.load %arg15[%swap3A_62, %swap3A_63] : memref<2000x128xf32, #tpu.memory_space<vmem>>, vector<2000x128xf32>
    tpu.vector_store %arg15[%swap3A_62, %swap3A_63], %sub3A {strides = array<i32>} : memref<2000x128xf32, #tpu.memory_space<vmem>>, vector<2000x128xf32>,
    return
  }
  func.func @transform_0(%arg0: i32) -> (i32, i32) {
    %c0_i32 = arith.constant 0 : i32
    %c0_i32_0 = arith.constant 0 : i32
    return %arg0, %c0_i32 : i32, i32
  }
  func.func @transform_1(%arg0: i32) -> (i32, i32) {
    %add3A = arith.constant 5 : i32
    %add3A_0 = arith.addi %arg0, %add3A : i32
    %c0_i32 = arith.constant 0 : i32
    %c0_i32_1 = arith.constant 0 : i32
    return %add3A_0, %c0_i32 : i32, i32
  }
  func.func @transform_2(%arg0: i32) -> (i32, i32) {
    %c0_i32 = arith.constant 0 : i32
    %c0_i32_0 = arith.constant 0 : i32
    return %arg0, %c0_i32 : i32, i32
  }
  func.func @transform_3(%arg0: i32) -> (i32, i32) {
    %c0_i32 = arith.constant 0 : i32
    %c0_i32_0 = arith.constant 0 : i32
    %c0_i32_1 = arith.constant 0 : i32
    return %c0_i32, %c0_i32_0 : i32, i32
  }
  func.func @transform_4(%arg0: i32) -> (i32, i32) {
    %c0_i32 = arith.constant 0 : i32
    %c0_i32_0 = arith.constant 0 : i32
    %c0_i32_1 = arith.constant 0 : i32
    return %c0_i32, %c0_i32_0 : i32, i32
  }
  func.func @transform_5(%arg0: i32) -> (i32, i32) {
    %c0_i32 = arith.constant 0 : i32
    %c0_i32_0 = arith.constant 0 : i32
    %c0_i32_1 = arith.constant 0 : i32
    return %c0_i32, %c0_i32_0 : i32, i32
  }
  func.func @transform_6(%arg0: i32) -> (i32, i32) {
    %c0_i32 = arith.constant 0 : i32
    %c0_i32_0 = arith.constant 0 : i32
    %c0_i32_1 = arith.constant 0 : i32
    return %c0_i32, %c0_i32_0 : i32, i32
  }
  func.func @transform_7(%arg0: i32) -> (i32, i32) {
    %c0_i32 = arith.constant 0 : i32
    %c0_i32_0 = arith.constant 0 : i32
    %c0_i32_1 = arith.constant 0 : i32
    return %c0_i32, %c0_i32_0 : i32, i32
  }
  func.func @transform_8(%arg0: i32) -> (i32, i32) {
    %c0_i32 = arith.constant 0 : i32
    %c0_i32_0 = arith.constant 0 : i32
    %c0_i32_1 = arith.constant 0 : i32
    return %c0_i32, %c0_i32_0 : i32, i32
  }
  func.func @transform_9(%arg0: i32) -> (i32, i32) {
    %c0_i32 = arith.constant 0 : i32
    %c0_i32_0 = arith.constant 0 : i32
    %c0_i32_1 = arith.constant 0 : i32
    return %c0_i32, %c0_i32_0 : i32, i32
  }
  func.func @transform_10(%arg0: i32) -> (i32, i32) {
    %c0_i32 = arith.constant 0 : i32
    %c0_i32_0 = arith.constant 0 : i32
    %c0_i32_1 = arith.constant 0 : i32
    return %c0_i32, %c0_i32_0 : i32, i32
  }
  func.func @transform_11(%arg0: i32) -> (i32, i32) {
    %c0_i32 = arith.constant 0 : i32
    %c0_i32_0 = arith.constant 0 : i32
    return %arg0, %c0_i32 : i32, i32
  }
  func.func @transform_12(%arg0: i32) -> (i32, i32) {
    %c0_i32 = arith.constant 0 : i32
    %c0_i32_0 = arith.constant 0 : i32
    return %arg0, %c0_i32 : i32, i32
  }
  func.func @transform_13(%arg0: i32) -> (i32, i32) {
    %c0_i32 = arith.constant 0 : i32
    %c0_i32_0 = arith.constant 0 : i32
    return %arg0, %c0_i32 : i32, i32
  }
  func.func @transform_14(%arg0: i32) -> (i32, i32) {
    %c0_i32 = arith.constant 0 : i32
    %c0_i32_0 = arith.constant 0 : i32
    return %arg0, %c0_i32 : i32, i32
  }
}

module attributes {stable_mosaic.version = 14 : i64} {
  func.func @_edge_mlp2_body(%arg0: i32, %arg1: memref<2560x128xf32, #tpu.memory_space<vmem>>, %arg2: memref<2560x128xf32, #tpu.memory_space<vmem>>, %arg3: memref<2560x32xf32, #tpu.memory_space<vmem>>, %arg4: memref<32x128xf32, #tpu.memory_space<vmem>>, %arg5: memref<1x128xf32, #tpu.memory_space<vmem>>, %arg6: memref<128x128xf32, #tpu.memory_space<vmem>>, %arg7: memref<1x128xf32, #tpu.memory_space<vmem>>, %arg8: memref<2560x128xf32, #tpu.memory_space<vmem>>) attributes {dimension_semantics = [#tpu.dimension_semantics<arbitrary>], iteration_bounds = array<i64: 125>, scalar_prefetch = 0 : i64, scratch_operands = 0 : i64, tpu.core_type = #tpu.core_type<tc>, window_params = [{transform_indices = @transform_0, window_bounds = array<i64: 2560, 128>}, {transform_indices = @transform_1, window_bounds = array<i64: 2560, 128>}, {transform_indices = @transform_2, window_bounds = array<i64: 2560, 32>}, {pipeline_mode = #tpu.pipeline_mode<synchronous>, transform_indices = @transform_3, window_bounds = array<i64: 32, 128>}, {pipeline_mode = #tpu.pipeline_mode<synchronous>, transform_indices = @transform_4, window_bounds = array<i64: 1, 128>}, {pipeline_mode = #tpu.pipeline_mode<synchronous>, transform_indices = @transform_5, window_bounds = array<i64: 128, 128>}, {pipeline_mode = #tpu.pipeline_mode<synchronous>, transform_indices = @transform_6, window_bounds = array<i64: 1, 128>}, {transform_indices = @transform_7, window_bounds = array<i64: 2560, 128>}]} {
    %get3A = arith.constant 0 : index
    %get3A_0 = arith.constant 0 : index
    %get3A_1 = vector.load %arg1[%get3A, %get3A_0] : memref<2560x128xf32, #tpu.memory_space<vmem>>, vector<2560x128xf32>
    %get3A_2 = arith.constant 0 : index
    %get3A_3 = arith.constant 0 : index
    %get3A_4 = vector.load %arg2[%get3A_2, %get3A_3] : memref<2560x128xf32, #tpu.memory_space<vmem>>, vector<2560x128xf32>
    %add3A = arith.addf %get3A_1, %get3A_4 : vector<2560x128xf32>
    %get3A_5 = arith.constant 0 : index
    %get3A_6 = arith.constant 0 : index
    %get3A_7 = vector.load %arg3[%get3A_5, %get3A_6] : memref<2560x32xf32, #tpu.memory_space<vmem>>, vector<2560x32xf32>
    %get3A_8 = arith.constant 0 : index
    %get3A_9 = arith.constant 0 : index
    %get3A_10 = vector.load %arg4[%get3A_8, %get3A_9] : memref<32x128xf32, #tpu.memory_space<vmem>>, vector<32x128xf32>
    %dot_general3A = arith.constant dense<0.000000e+00> : vector<2560x128xf32>
    %dot_general3A_11 = tpu.matmul %get3A_7, %get3A_10, %dot_general3A {dimension_numbers = #tpu.dot_dimension_numbers<[1], [0], [0], [1], [0, 0, 1, 1], [], []>, transpose_lhs_hint = false} : vector<2560x32xf32>, vector<32x128xf32>, vector<2560x128xf32> -> vector<2560x128xf32>
    %add3A_12 = arith.addf %add3A, %dot_general3A_11 : vector<2560x128xf32>
    %get3A_13 = arith.constant 0 : index
    %get3A_14 = arith.constant 0 : index
    %get3A_15 = vector.load %arg5[%get3A_13, %get3A_14] : memref<1x128xf32, #tpu.memory_space<vmem>>, vector<1x128xf32>
    %add3A_16 = vector.broadcast %get3A_15 : vector<1x128xf32> to vector<2560x128xf32>
    %add3A_17 = arith.addf %add3A_12, %add3A_16 : vector<2560x128xf32>
    %max3A = arith.constant 0.000000e+00 : f32
    %max3A_18 = vector.broadcast %max3A : f32 to vector<2560x128xf32>
    %max3A_19 = arith.maximumf %add3A_17, %max3A_18 : vector<2560x128xf32>
    %get3A_20 = arith.constant 0 : index
    %get3A_21 = arith.constant 0 : index
    %get3A_22 = vector.load %arg6[%get3A_20, %get3A_21] : memref<128x128xf32, #tpu.memory_space<vmem>>, vector<128x128xf32>
    %dot_general3A_23 = arith.constant dense<0.000000e+00> : vector<2560x128xf32>
    %dot_general3A_24 = tpu.matmul %max3A_19, %get3A_22, %dot_general3A_23 {dimension_numbers = #tpu.dot_dimension_numbers<[1], [0], [0], [1], [0, 0, 1, 1], [], []>, transpose_lhs_hint = false} : vector<2560x128xf32>, vector<128x128xf32>, vector<2560x128xf32> -> vector<2560x128xf32>
    %get3A_25 = arith.constant 0 : index
    %get3A_26 = arith.constant 0 : index
    %get3A_27 = vector.load %arg7[%get3A_25, %get3A_26] : memref<1x128xf32, #tpu.memory_space<vmem>>, vector<1x128xf32>
    %add3A_28 = vector.broadcast %get3A_27 : vector<1x128xf32> to vector<2560x128xf32>
    %add3A_29 = arith.addf %dot_general3A_24, %add3A_28 : vector<2560x128xf32>
    %swap3A = arith.constant 0 : index
    %swap3A_30 = arith.constant 0 : index
    %swap3A_31 = vector.load %arg8[%swap3A, %swap3A_30] : memref<2560x128xf32, #tpu.memory_space<vmem>>, vector<2560x128xf32>
    tpu.vector_store %arg8[%swap3A, %swap3A_30], %add3A_29 {strides = array<i32>} : memref<2560x128xf32, #tpu.memory_space<vmem>>, vector<2560x128xf32>,
    return
  }
  func.func @transform_0(%arg0: i32) -> (i32, i32) {
    %c0_i32 = arith.constant 0 : i32
    %c0_i32_0 = arith.constant 0 : i32
    return %arg0, %c0_i32 : i32, i32
  }
  func.func @transform_1(%arg0: i32) -> (i32, i32) {
    %c0_i32 = arith.constant 0 : i32
    %c0_i32_0 = arith.constant 0 : i32
    return %arg0, %c0_i32 : i32, i32
  }
  func.func @transform_2(%arg0: i32) -> (i32, i32) {
    %c0_i32 = arith.constant 0 : i32
    %c0_i32_0 = arith.constant 0 : i32
    return %arg0, %c0_i32 : i32, i32
  }
  func.func @transform_3(%arg0: i32) -> (i32, i32) {
    %c0_i32 = arith.constant 0 : i32
    %c0_i32_0 = arith.constant 0 : i32
    %c0_i32_1 = arith.constant 0 : i32
    return %c0_i32, %c0_i32_0 : i32, i32
  }
  func.func @transform_4(%arg0: i32) -> (i32, i32) {
    %c0_i32 = arith.constant 0 : i32
    %c0_i32_0 = arith.constant 0 : i32
    %c0_i32_1 = arith.constant 0 : i32
    return %c0_i32, %c0_i32_0 : i32, i32
  }
  func.func @transform_5(%arg0: i32) -> (i32, i32) {
    %c0_i32 = arith.constant 0 : i32
    %c0_i32_0 = arith.constant 0 : i32
    %c0_i32_1 = arith.constant 0 : i32
    return %c0_i32, %c0_i32_0 : i32, i32
  }
  func.func @transform_6(%arg0: i32) -> (i32, i32) {
    %c0_i32 = arith.constant 0 : i32
    %c0_i32_0 = arith.constant 0 : i32
    %c0_i32_1 = arith.constant 0 : i32
    return %c0_i32, %c0_i32_0 : i32, i32
  }
  func.func @transform_7(%arg0: i32) -> (i32, i32) {
    %c0_i32 = arith.constant 0 : i32
    %c0_i32_0 = arith.constant 0 : i32
    return %arg0, %c0_i32 : i32, i32
  }
}

</mosaic_0001>

<sc_bundles>
// kernel: kernel.12.cloned.1.call-start
scs
__scs_entry_jumppad:
0x0: {  	(pc) =	sbr.rel $0x88, $3  }
0x1: {  	(tag) =	ssettag $0x0;
	lr =	simm.s32 $0x1  }
0x2: {  	[smem:$0x3F86] =	sst lr;
	_ =	strace $0xD0000000  }
0x3: {  	_ = 	snop  }
0x4: {  	_ = 	snop  }
0x5: {  	_ = 	snop  }
0x6: {  	_ = 	snop  }
0x7: {  	_ = 	snop  }
__scs_overlays_trampoline_lowered:
0x8: {  	[smem:$0x3F95] =	sst s0  }
0x9: {  	[smem:$0x3F96] =	sst s1  }
0xa: {  	[smem:$0x3F97] =	sst s2  }
0xb: {  	[smem:$0x3F98] =	sst s3  }
0xc: {  	[smem:$0x3F99] =	sst s4  }
0xd: {  	[smem:$0x3F9A] =	sst s5  }
0xe: {  	[smem:$0x3F9B] =	sst s6  }
0xf: {  	[smem:$0x3F9C] =	sst s7  }
0x10: {  	[smem:$0x3F9D] =	sst s8  }
0x11: {  	[smem:$0x3F9E] =	sst s9;
	s0 =	simm.s32 @!p0 $0x0  }
0x12: {  	s1 =	sld [smem:$0x3F84];
	s0 =	simm.s32 @p0 $0x1  }
0x13: {  	[smem:$0x3F9F] =	sst s0;
	s0 =	simm.s32 @!p1 $0x0  }
0x14: {  	s2 =	sld [smem:$0x3F83];
	s0 =	simm.s32 @p1 $0x1  }
0x15: {  	[smem:$0x3FA0] =	sst s0;
	s0 =	simm.s32 @!p2 $0x0  }
0x16: {  	s3 =	sld [smem:$0x3FDB];
	s0 =	simm.s32 @p2 $0x1  }
0x17: {  	s4 =	simm.s32 $0x1BF5;
	[smem:$0x3FA2] =	sst s0  }
0x18: {  	s0 =	sld [smem:$0x3F85];
	_ =	swait.ge [sflag:s4], $0x0  }
0x19: {  	s7 =	sld [smem:$0x3F86]  }
0x1a: {  	s8 =	sadd.s32 $0xFFFFE003, lr  }
0x1b: {  	s9 =	sadd.s32 $0xFFFFFEF7, lr;
	s5 =	simm.s32 $0xFFFFFFFF;
	p2 =	slt.u32 s8, $0xFFFFF086  }
0x1c: {  	p1 =	slt.u32 s9, $0xF7A;
	s5 =	simm.s32 @!p2 $0x0  }
0x1d: {  	s5 =	simm.s32 @p1 $0x1;
	p0 =	seq.s32 s7, s2  }
0x1e: {  	s7 =	smul.u32 @!p0 $0xF7A, s2;
	p2 =	seq.s32 @!p0 s5, $0x0  }
0x1f: {  	s9 =	smul.u32 $0xF7A, s1;
	s8 =	simm.s32 @!p0 $0x1BF5;
	p2 =	por !p2, p0  }
0x20: {  	[sflag:s8] =	ssyncset.s32 @!p0 $0xFFFFF086;
	s6 =	sadd.s32 @!p0 s3, s7;
	s7 =	simm.s32 @!p0 $0x108  }
0x21: {  	s3 =	sadd.s32 s3, s9;
	s6 =	sadd.s32 @!p0 $0x88, s6;
	s7 =	simm.s32 @p2 $0x1082  }
0x22: {  	[simem:s7], [sflag:s8] =	dma.local @!p0 [hbm:s6], $0xF7A  }
0x23: {  	s9 =	sor.u32 $0xD0000000, s2;
	s6 =	simm.s32 $0x108;
	_ =	swait.ge @!p0 [sflag:s8], $0x0  }
0x24: {  	s3 =	sadd.s32 $0x88, s3;
	s6 =	simm.s32 @!p1 $0x1082;
	[sflag:s4] =	ssyncset.s32 $0xFFFFF086  }
0x25: {  	[simem:s6], [sflag:s4] =	dma.local [hbm:s3], $0xF7A  }
0x26: {  	[smem:$0x3F86] =	sst s1;
	(tag) =	ssettag s2;
	_ =	strace s9  }
0x27: {  	s1 =	sld [smem:$0x3F96]  }
0x28: {  	s2 =	sld [smem:$0x3F97]  }
0x29: {  	s4 =	sld [smem:$0x3F99]  }
0x2a: {  	p0 =	seq.s32 s5, $0x0;
	s5 =	sld [smem:$0x3F9A]  }
0x2b: {  	s6 =	sld [smem:$0x3F9B]  }
0x2c: {  	s7 =	sld [smem:$0x3F9C]  }
0x2d: {  	s3 =	simm.s32 $0x108;
	s8 =	sld [smem:$0x3F9D]  }
0x2e: {  	s3 =	simm.s32 @!p0 $0x1082;
	s9 =	sld [smem:$0x3F9E]  }
0x2f: {  	lr =	sadd.s32 s0, s3;
	s0 =	sld [smem:$0x3F95]  }
0x30: {  	s3 =	sld [smem:$0x3F98]  }
0x31: {  	[smem:$0x3FA1] =	sst s10  }
0x32: {  	s10 =	sld [smem:$0x3F9F];
	_ =	sdelay $0x3  }
0x33: {  	p0 =	seq.s32 s10, $0x1;
	s10 =	sld [smem:$0x3FA1];
	_ =	sdelay $0x3  }
0x34: {  	[smem:$0x3FA1] =	sst s10  }
0x35: {  	s10 =	sld [smem:$0x3FA0];
	_ =	sdelay $0x3  }
0x36: {  	p1 =	seq.s32 s10, $0x1;
	s10 =	sld [smem:$0x3FA1];
	_ =	sdelay $0x3  }
0x37: {  	[smem:$0x3FA1] =	sst s10  }
0x38: {  	s10 =	sld [smem:$0x3FA2]  }
0x39: {  	_ = 	snop;
	(pc) =	sbr.ind lr, $3  }
0x3a: {  	_ = 	snop  }
0x3b: {  	_ = 	snop  }
0x3c: {  	p2 =	seq.s32 s10, $0x1;
	s10 =	sld [smem:$0x3FA1]  }
0x3d: {  	_ =	shalt  }
0x3e: {  	_ =	shalt  }
0x3f: {  	_ =	shalt  }
0x40: {  	_ =	shalt  }
0x41: {  	_ =	shalt  }
0x42: {  	_ =	shalt  }
0x43: {  	_ =	shalt  }
0x44: {  	_ =	shalt  }
0x45: {  	_ =	shalt  }
0x46: {  	_ =	shalt  }
0x47: {  	_ =	shalt  }
0x48: {  	_ =	shalt  }
0x49: {  	_ =	shalt  }
0x4a: {  	_ =	shalt  }
0x4b: {  	_ =	shalt  }
0x4c: {  	_ =	shalt  }
0x4d: {  	_ =	shalt  }
0x4e: {  	_ =	shalt  }
0x4f: {  	_ =	shalt  }
0x50: {  	_ =	shalt  }
0x51: {  	_ =	shalt  }
0x52: {  	_ =	shalt  }
0x53: {  	_ =	shalt  }
0x54: {  	_ =	shalt  }
0x55: {  	_ =	shalt  }
0x56: {  	_ =	shalt  }
0x57: {  	_ =	shalt  }
0x58: {  	_ =	shalt  }
0x59: {  	_ =	shalt  }
0x5a: {  	_ =	shalt  }
0x5b: {  	_ =	shalt  }
0x5c: {  	_ =	shalt  }
0x5d: {  	_ =	shalt  }
0x5e: {  	_ =	shalt  }
0x5f: {  	_ =	shalt  }
0x60: {  	_ =	shalt  }
0x61: {  	_ =	shalt  }
0x62: {  	_ =	shalt  }
0x63: {  	_ =	shalt  }
0x64: {  	_ =	shalt  }
0x65: {  	_ =	shalt  }
0x66: {  	_ =	shalt  }
0x67: {  	_ =	shalt  }
0x68: {  	_ =	shalt  }
0x69: {  	_ =	shalt  }
0x6a: {  	_ =	shalt  }
0x6b: {  	_ =	shalt  }
0x6c: {  	_ =	shalt  }
0x6d: {  	_ =	shalt  }
0x6e: {  	_ =	shalt  }
0x6f: {  	_ =	shalt  }
0x70: {  	_ =	shalt  }
0x71: {  	_ =	shalt  }
0x72: {  	_ =	shalt  }
0x73: {  	_ =	shalt  }
0x74: {  	_ =	shalt  }
0x75: {  	_ =	shalt  }
0x76: {  	_ =	shalt  }
0x77: {  	_ =	shalt  }
0x78: {  	_ =	shalt  }
0x79: {  	_ =	shalt  }
0x7a: {  	_ =	shalt  }
0x7b: {  	_ =	shalt  }
0x7c: {  	_ =	shalt  }
0x7d: {  	_ =	shalt  }
0x7e: {  	_ =	shalt  }
0x7f: {  	_ =	shalt  }
0x80: {  	_ =	shalt  }
0x81: {  	_ =	shalt  }
0x82: {  	_ =	shalt  }
0x83: {  	_ =	shalt  }
0x84: {  	_ =	shalt  }
0x85: {  	_ =	shalt  }
0x86: {  	_ =	shalt  }
0x87: {  	_ =	shalt  }
.Lfunc_end0:
.L_simem_size_0:
called_computation.1_lowered:
.L_overlay_start_0:
0x88: {  	s2 =	sld [smem:$0x3FD9]  }
0x89: {  	s3 =	sld [smem:$0x3FFE];
	_ =	sdelay $0x1  }
0x8a: {  	s1 =	srdreg.scid  }
0x8b: {  	s0 =	sand.u32 $0x1, s1  }
0x8c: {  	s14 =	sshll.u32 s0, $0xA;
	s2 =	sadd.s32 s3, s2  }
0x8d: {  	s2 =	sadd.s32 s2, s14  }
0x8e: {  	[smem:$0x3FAD] =	sst s2  }
0x8f: {  	_ = 	snop  }
0x90: {  	s2 =	sld [smem:$0x3FD0];
	_ =	sdelay $0x2  }
0x91: {  	s15 =	simm.s32 $0xA;
	s4 =	simm.s32 $0x10  }
0x92: {  	[smem:s4], [sflag:s15] =	dma.local [hbm:s2], $0x1  }
0x93: {  	_ =	swait.eq [sflag:s15], $0x1  }
0x94: {  	[sflag:s15] =	ssyncset.done $0x0  }
0x95: {  	s16 =	sld [smem:$0x10];
	[sflag:s15] =	ssyncadd.s32 $0xFFFFFFFF  }
0x96: {  	s17 =	sld [smem:$0x11];
	(tm) =	ssettm $0x1  }
0x97: {  	s18 =	sld [smem:$0x3FFB];
	_ =	sdelay $0x3  }
0x98: {  	_ =	strace s18  }
0x99: {  	s4 =	sld [smem:$0x3FFC];
	_ =	sdelay $0x3  }
0x9a: {  	_ =	strace s4  }
0x9b: {  	s4 =	sld [smem:$0x3FFD];
	_ =	sdelay $0x3  }
0x9c: {  	_ =	strace s4  }
0x9d: {  	_ =	strace $0x8FFFFFFF  }
0x9e: {  	s19 =	sld [smem:$0x3FDB];
	_ =	sdelay $0x1  }
0x9f: {  	s5 =	simm.s32 $_scs_section_size  }
0xa0: {  	s6 =	simm.s32 $_size__tile_overlayer_lowered;
	s7 =	simm.s32 $_tile_overlayer_lowered  }
0xa1: {  	s22 =	simm.s32 $0x1BFF;
	s21 =	sshll.u32 s7, $0x1;
	s4 =	sadd.s32 s5, s19  }
0xa2: {  	s8 =	simm.s32 $0x0;
	s20 =	sshll.u32 s6, $0x1;
	s6 =	sadd.s32 s21, s4  }
0xa3: {  	[timem:s8], [sflag:s22] =	dma.local [hbm:s6], s20  }
0xa4: {  	_ =	swait.ge [sflag:s22], s20  }
0xa5: {  	s5 =	ssub.s32 $0x0, s20;
	[sflag:s22] =	ssyncset.done $0x0  }
0xa6: {  	[sflag:s22] =	ssyncadd.s32 s5;
	_ =	sdelay $0x1  }
0xa7: {  	s23 =	simm.s32 $0x1B8B  }
0xa8: {  	_ =	swait.ge [sflag:s23], $0x1  }
0xa9: {  	[sflag:s23] =	ssyncset.done $0x0  }
0xaa: {  	s25 =	simm.s32 $0x1B8E;
	s24 =	sld [smem:$0x3FFE];
	[sflag:s23] =	ssyncadd.s32 $0xFFFFFFFF  }
0xab: {  	s26 =	simm.s32 $execute0_lowered;
	[smem:$0x3FD2] =	sst s25  }
0xac: {  	s6 =	sshll.u32 s26, $0x1;
	_ =	strace $0x80000049;
	[dreg:$0x1] =	wrdreg $0xFFFFFFFF  }
0xad: {  	s28 =	simm.s32 $_size_execute0_lowered;
	s4 =	sadd.s32 s4, s6;
	[dreg:$0x0] =	wrdreg $0x0  }
0xae: {  	s6 =	sshll.u32 s28, $0x1;
	[dreg:$0x2] =	wrdreg s4  }
0xaf: {  	[dreg:$0x3] =	wrdreg s6  }
0xb0: {  	[dreg:$0x4] =	wrdreg $0xC0  }
0xb1: {  	_ =	task [dreg:s8], $0x5FFFF  }
0xb2: {  	[dreg:$0x1] =	wrdreg $0xFFFFFFFF  }
0xb3: {  	[dreg:$0x0] =	wrdreg $0x60  }
0xb4: {  	[dreg:$0x2] =	wrdreg s16  }
0xb5: {  	[dreg:$0x3] =	wrdreg s24  }
0xb6: {  	[dreg:$0x4] =	wrdreg s17  }
0xb7: {  	[dreg:$0x5] =	wrdreg $0x28800  }
0xb8: {  	[dreg:$0x6] =	wrdreg $0x9  }
0xb9: {  	_ =	task.clear_ibuf [dreg:s8], $0x7FFFF;
	_ =	strace $0x90000049  }
0xba: {  	s29 =	simm.s32 $0x9;
	_ =	strace $0x8000004B  }
0xbb: {  	_ =	swait.ge [sflag:s29], $0x1  }
0xbc: {  	[sflag:s29] =	ssyncadd.s32 $0xFFFFFFFF  }
0xbd: {  	_ =	strace $0x9000004B  }
0xbe: {  	_ =	sfence  }
0xbf: {  	s30 =	sld [smem:$0x0];
	_ =	sdelay $0x2  }
0xc0: {  	s31 =	sshll.u32 s1, $0xD;
	s1 =	sshrl.u32 s1, $0x2  }
0xc1: {  	s3 =	sand.u32 $0x4000, s31;
	s1 =	sadd.s32 s1, s30  }
0xc2: {  	s0 =	sor.u32 s3, s0;
	s1 =	sshll.u32 s1, $0x11  }
0xc3: {  	s0 =	sor.u32 s1, s0  }
0xc4: {  	s0 =	sadd.s32 $0x8F2B, s0  }
0xc5: {  	[sflag:s0] =	ssyncadd.remote.s32 $0x1  }
0xc6: {  	_ =	sfence.sel $0xFFFF  }
0xc7: {  	[dreg:$0x0] =	wrdreg $0xFFFFFFFF;
	(pc) =	sbr.abs _section_cstart, $3  }
0xc8: {  	[dreg:$0x1] =	wrdreg $0xFFFFFFFF  }
0xc9: {  	_ =	task.clear_ibuf [dreg:s8], $0x2FFFF;
	_ =	strace $0x9FFFFFFF  }
0xca: {  	(tm) =	ssettm $0x7FFFFFFF  }
0xcb: {  	_ =	shalt  }
tec
execute0_lowered:
.L_overlay_start_1:
0x0: {  	(tag) =	ssettag $0x1  }
0x1: {  	s7 =	rddreg [dreg:$0x0]  }
0x2: {  	s4 =	rddreg [dreg:$0x1];
	s0 =	srdreg.scid  }
0x3: {  	s11 =	stileid.u32;
	s1 =	rddreg [dreg:$0x2]  }
0x4: {  	s2 =	rddreg [dreg:$0x3];
	s3 =	simm.s32 $0x0;
	s6 =	smul.u32 $0x4E20, s11  }
0x5: {  	s5 =	sand.u32 $0x1, s0;
	s0 =	rddreg [dreg:$0x4];
	s26 =	smul.u32 $0x4E000, s11  }
0x6: {  	[smem:$0x7FF] =	sst s3;
	s12 =	smul.u32 $0x2700, s11;
	s14 =	sadd.s32 $0x41800, s4  }
0x7: {  	s30 =	smul.u32 $0x4E200, s11;
	s16 =	sadd.s32 $0x138000, s2;
	p0 =	sne.s32 s11, $0x0  }
0x8: {  	s31 =	sshll.u32 s11, $0x6;
	s11 =	simm.s32 $0x80;
	s8 =	smul.u32 $0x2710, s5  }
0x9: {  	_ =	strace $0x8000004A;
	s9 =	smul.u32 $0x27100, s5;
	s28 =	ssub.s32 $0x2, s5  }
0xa: {  	s5 =	smul.u32 $0x138800, s5;
	s13 =	sshrl.u32 s28, $0x1;
	s7 =	sadd.s32 s30, s7  }
0xb: {  	s6 =	sadd.s32 s8, s6;
	s8 =	sshrl.u32 s26, $0x2;
	s29 =	sadd.s32 s12, s9  }
0xc: {  	s5 =	sshrl.u32 s5, $0x3;
	s7 =	sadd.s32 s9, s7;
	s9 =	sshrl.u32 @!p0 s2, $0x3  }
0xd: {  	s12 =	simm.s32 $0x50;
	s6 =	sshrl.u32 s6, $0x3;
	s15 =	sadd.s32 s8, s2  }
0xe: {  	s5 =	sadd.s32 s14, s5;
	s10 =	sadd.s32 s6, s4;
	s6 =	ssub.s32 s28, s13  }
0xf: {  	s4 =	sadd.s32 s14, s29;
	s5 =	sadd.s32 $0x27000, s5;
	s13 =	sor.u32 $0x1C01, s31  }
0x10: {  	s14 =	sshrl.u32 s15, $0x3;
	s15 =	sshrl.u32 @!p0 s16, $0x3;
	s16 =	simm.s32 $0x0  }
0x11: {  	s6 =	smax.u32 s6, $0x1;
	s8 =	sadd.s32 $0x2DC00, s10;
	s10 =	simm.s32 $0x1  }
.LBB2_1:
0x12: {  	s17 =	simm.s32 @!p0 $0x1C01  }
0x13: {  	[spmem:s9], [sflag:s17] =	dma.local @!p0 [hbm:s1], $0x27100  }
0x14: {  	s17 =	simm.s32 @!p0 $0x1  }
0x15: {  	_ =	swait.ge @!p0 [sflag:s17], $0x27100  }
0x16: {  	[sflag:s17] =	ssyncset.done @!p0 $0x0  }
0x17: {  	[sflag:s17] =	ssyncadd.s32 @!p0 $0xFFFD8F00  }
0x18: {  	s31 =	sadd.s32 $0x0, s8;
	[bflag:$0x0] =	sbarrier.arrive $0xFFFF  }
0x19: {  	[tilespmem:s3], [sflag:$0x1] =	stream.linear.gather [hbm4b:s31+s3], $0x50, $0x38;
	[tilespmem:$0x16100] =	vst v63  }
0x1a: {  	_ =	swait.ge [sflag:s10], $0x50  }
0x1b: {  	[sflag:s10] =	ssyncset.done $0x0  }
0x1c: {  	[sflag:s10] =	ssyncadd.s32 $0xFFFFFFB0  }
0x1d: {  	[tilespmem:s11], [sflag:$0x1] =	stream.linear.gather [hbm4b:s7+s3], $0x2800, $0x38;
	[tilespmem:$0x16100] =	vst v63  }
0x1e: {  	_ =	swait.ge [sflag:s10], $0x2800  }
0x1f: {  	[sflag:s10] =	ssyncset.done $0x0  }
0x20: {  	[sflag:s10] =	ssyncadd.s32 $0xFFFFD800  }
0x21: {  	[spmem:s2] =	stream.indirect.scatter.add.f32 [tilespmem:s11], [sflag:$0x1], $0x80, s3, s12, $0xb8;
	[tilespmem:$0x16100] =	vst v63  }
0x22: {  	s18 =	simm.s32 $0xA;
	_ =	swait.ge [sflag:s10], $0x2800  }
0x23: {  	s19 =	simm.s32 $0x14;
	s17 =	sadd.s32 $0x500, s7;
	[sflag:s10] =	ssyncset.done $0x0  }
.LBB2_2:
0x24: {  	s20 =	sadd.s32 s18, s8  }
0x25: {  	[sflag:s10] =	ssyncadd.s32 $0xFFFFD800;
	s18 =	smov.u32 s19;
	s21 =	sadd.s32 $0xA, s19  }
0x26: {  	[tilespmem:s3], [sflag:$0x1] =	stream.linear.gather [hbm4b:s20+s3], $0x50, $0x38;
	[tilespmem:$0x16100] =	vst v63  }
0x27: {  	p1 =	sne.s32 s19, $0x4D8;
	_ =	swait.ge [sflag:s10], $0x50  }
0x28: {  	[sflag:s10] =	ssyncset.done $0x0  }
0x29: {  	[sflag:s10] =	ssyncadd.s32 $0xFFFFFFB0  }
0x2a: {  	[tilespmem:s11], [sflag:$0x1] =	stream.linear.gather [hbm4b:s17+s3], $0x2800, $0x38;
	[tilespmem:$0x16100] =	vst v63  }
0x2b: {  	_ =	swait.ge [sflag:s10], $0x2800  }
.Ltmp0:
0x2c: {  	[sflag:s10] =	ssyncset.done $0x0;
	(pc) =	sbr.rel @p1 .LBB2_2-.Ltmp0, $4  }
0x2d: {  	[sflag:s10] =	ssyncadd.s32 $0xFFFFD800  }
0x2e: {  	[spmem:s2] =	stream.indirect.scatter.add.f32 [tilespmem:s11], [sflag:$0x1], $0x80, s3, s12, $0xb8;
	[tilespmem:$0x16100] =	vst v63  }
0x2f: {  	_ =	swait.ge [sflag:s10], $0x2800  }
0x30: {  	s19 =	smov.u32 s21;
	s17 =	sadd.s32 $0x500, s17;
	[sflag:s10] =	ssyncset.done $0x0  }
0x31: {  	s18 =	sadd.s32 s18, s8;
	[sflag:s10] =	ssyncadd.s32 $0xFFFFD800  }
0x32: {  	[tilespmem:s3], [sflag:$0x1] =	stream.linear.gather [hbm4b:s18+s3], $0x50, $0x38;
	[tilespmem:$0x16100] =	vst v63  }
0x33: {  	_ =	swait.ge [sflag:s10], $0x50  }
0x34: {  	[sflag:s10] =	ssyncset.done $0x0  }
0x35: {  	[sflag:s10] =	ssyncadd.s32 $0xFFFFFFB0  }
0x36: {  	[tilespmem:s11], [sflag:$0x1] =	stream.linear.gather [hbm4b:s17+s3], $0x2800, $0x38;
	[tilespmem:$0x16100] =	vst v63  }
0x37: {  	_ =	swait.ge [sflag:s10], $0x2800  }
0x38: {  	[sflag:s10] =	ssyncset.done $0x0  }
0x39: {  	[sflag:s10] =	ssyncadd.s32 $0xFFFFD800  }
0x3a: {  	[spmem:s2] =	stream.indirect.scatter.add.f32 [tilespmem:s11], [sflag:$0x1], $0x80, s3, s12, $0xb8;
	[tilespmem:$0x16100] =	vst v63  }
0x3b: {  	_ =	swait.ge [sflag:s10], $0x2800  }
0x3c: {  	[sflag:s10] =	ssyncset.done $0x0  }
0x3d: {  	[sflag:s10] =	ssyncadd.s32 $0xFFFFD800  }
0x3e: {  	[bflag:$0x0] =	sbarrier.arrive $0xFFFF  }
0x3f: {  	[hbm:s4], [sflag:s13] =	dma.local [spmem:s14], $0x2700  }
0x40: {  	s16 =	sadd.s32 $0x1, s16;
	_ =	swait.ge [sflag:s10], $0x2700  }
0x41: {  	p1 =	sne.s32 s16, s6;
	[sflag:s10] =	ssyncset.done $0x0  }
.Ltmp1:
0x42: {  	s17 =	simm.s32 @!p0 $0x1;
	[sflag:s10] =	ssyncadd.s32 $0xFFFFD900;
	(pc) =	sbr.rel @p1 .LBB2_1-.Ltmp1, $4  }
0x43: {  	[hbm:s5], [sflag:s13] =	dma.local @!p0 [spmem:s15], $0x100  }
0x44: {  	_ =	swait.ge @!p0 [sflag:s17], $0x100  }
0x45: {  	[sflag:s17] =	ssyncset.done @!p0 $0x0  }
0x46: {  	[sflag:s17] =	ssyncadd.s32 @!p0 $0xFFFFFF00  }
0x47: {  	_ =	sfence.sel $0x180000  }
0x48: {  	[bflag:$0x0] =	sbarrier.arrive $0xFFFF  }
0x49: {  	_ =	strace $0x9000004A  }
0x4a: {  	s0 =	sadd.s32 @!p0 $0x100000, s0;
	[bflag:$0x2] =	sbarrier.arrive $0xFFFF  }
0x4b: {  	[sflag:s0] =	ssyncadd.tile.s32 @!p0 $0x1;
	_ =	shalt  }
.Lfunc_end2:
_tile_overlayer_lowered:
.L_overlay_start_2:
0x4c: {  	(tag) =	ssettag $0x2  }
0x4d: {  	s0 =	rddreg [dreg:$0x0];
	s2 =	stileid.u32  }
0x4e: {  	s1 =	rddreg [dreg:$0x1];
	p0 =	sne.s32 s2, $0x0  }
0x4f: {  	s3 =	rddreg [dreg:$0x2];
	[bflag:$0x3] =	sbarrier.arrive $0xFFFF;
	s2 =	simm.s32 @!p0 $0x1C01  }
0x50: {  	[timem:s3], [sflag:s2] =	dma.local @!p0 [hbm:s0], s1  }
0x51: {  	s0 =	simm.s32 @!p0 $0x1  }
0x52: {  	_ =	swait.ge @!p0 [sflag:s0], s1  }
0x53: {  	s1 =	ssub.s32 @!p0 $0x0, s1;
	[sflag:s0] =	ssyncset.done @!p0 $0x0  }
0x54: {  	[sflag:s0] =	ssyncadd.s32 @!p0 s1  }
0x55: {  	[bflag:$0x3] =	sbarrier.arrive $0xFFFF  }
0x56: {  	_ =	shalt  }

// kernel: kernel.15.cloned.1.call-start
scs
__scs_entry_jumppad:
0x0: {  	(pc) =	sbr.rel $0x88, $3  }
0x1: {  	(tag) =	ssettag $0x0;
	lr =	simm.s32 $0x1  }
0x2: {  	[smem:$0x3F86] =	sst lr;
	_ =	strace $0xD0000000  }
0x3: {  	_ = 	snop  }
0x4: {  	_ = 	snop  }
0x5: {  	_ = 	snop  }
0x6: {  	_ = 	snop  }
0x7: {  	_ = 	snop  }
__scs_overlays_trampoline_lowered:
0x8: {  	[smem:$0x3F95] =	sst s0  }
0x9: {  	[smem:$0x3F96] =	sst s1  }
0xa: {  	[smem:$0x3F97] =	sst s2  }
0xb: {  	[smem:$0x3F98] =	sst s3  }
0xc: {  	[smem:$0x3F99] =	sst s4  }
0xd: {  	[smem:$0x3F9A] =	sst s5  }
0xe: {  	[smem:$0x3F9B] =	sst s6  }
0xf: {  	[smem:$0x3F9C] =	sst s7  }
0x10: {  	[smem:$0x3F9D] =	sst s8  }
0x11: {  	[smem:$0x3F9E] =	sst s9;
	s0 =	simm.s32 @!p0 $0x0  }
0x12: {  	s1 =	sld [smem:$0x3F84];
	s0 =	simm.s32 @p0 $0x1  }
0x13: {  	[smem:$0x3F9F] =	sst s0;
	s0 =	simm.s32 @!p1 $0x0  }
0x14: {  	s2 =	sld [smem:$0x3F83];
	s0 =	simm.s32 @p1 $0x1  }
0x15: {  	[smem:$0x3FA0] =	sst s0;
	s0 =	simm.s32 @!p2 $0x0  }
0x16: {  	s3 =	sld [smem:$0x3FDB];
	s0 =	simm.s32 @p2 $0x1  }
0x17: {  	s4 =	simm.s32 $0x1BF5;
	[smem:$0x3FA2] =	sst s0  }
0x18: {  	s0 =	sld [smem:$0x3F85];
	_ =	swait.ge [sflag:s4], $0x0  }
0x19: {  	s7 =	sld [smem:$0x3F86]  }
0x1a: {  	s8 =	sadd.s32 $0xFFFFE003, lr  }
0x1b: {  	s9 =	sadd.s32 $0xFFFFFEF7, lr;
	s5 =	simm.s32 $0xFFFFFFFF;
	p2 =	slt.u32 s8, $0xFFFFF086  }
0x1c: {  	p1 =	slt.u32 s9, $0xF7A;
	s5 =	simm.s32 @!p2 $0x0  }
0x1d: {  	s5 =	simm.s32 @p1 $0x1;
	p0 =	seq.s32 s7, s2  }
0x1e: {  	s7 =	smul.u32 @!p0 $0xF7A, s2;
	p2 =	seq.s32 @!p0 s5, $0x0  }
0x1f: {  	s9 =	smul.u32 $0xF7A, s1;
	s8 =	simm.s32 @!p0 $0x1BF5;
	p2 =	por !p2, p0  }
0x20: {  	[sflag:s8] =	ssyncset.s32 @!p0 $0xFFFFF086;
	s6 =	sadd.s32 @!p0 s3, s7;
	s7 =	simm.s32 @!p0 $0x108  }
0x21: {  	s3 =	sadd.s32 s3, s9;
	s6 =	sadd.s32 @!p0 $0x88, s6;
	s7 =	simm.s32 @p2 $0x1082  }
0x22: {  	[simem:s7], [sflag:s8] =	dma.local @!p0 [hbm:s6], $0xF7A  }
0x23: {  	s9 =	sor.u32 $0xD0000000, s2;
	s6 =	simm.s32 $0x108;
	_ =	swait.ge @!p0 [sflag:s8], $0x0  }
0x24: {  	s3 =	sadd.s32 $0x88, s3;
	s6 =	simm.s32 @!p1 $0x1082;
	[sflag:s4] =	ssyncset.s32 $0xFFFFF086  }
0x25: {  	[simem:s6], [sflag:s4] =	dma.local [hbm:s3], $0xF7A  }
0x26: {  	[smem:$0x3F86] =	sst s1;
	(tag) =	ssettag s2;
	_ =	strace s9  }
0x27: {  	s1 =	sld [smem:$0x3F96]  }
0x28: {  	s2 =	sld [smem:$0x3F97]  }
0x29: {  	s4 =	sld [smem:$0x3F99]  }
0x2a: {  	p0 =	seq.s32 s5, $0x0;
	s5 =	sld [smem:$0x3F9A]  }
0x2b: {  	s6 =	sld [smem:$0x3F9B]  }
0x2c: {  	s7 =	sld [smem:$0x3F9C]  }
0x2d: {  	s3 =	simm.s32 $0x108;
	s8 =	sld [smem:$0x3F9D]  }
0x2e: {  	s3 =	simm.s32 @!p0 $0x1082;
	s9 =	sld [smem:$0x3F9E]  }
0x2f: {  	lr =	sadd.s32 s0, s3;
	s0 =	sld [smem:$0x3F95]  }
0x30: {  	s3 =	sld [smem:$0x3F98]  }
0x31: {  	[smem:$0x3FA1] =	sst s10  }
0x32: {  	s10 =	sld [smem:$0x3F9F];
	_ =	sdelay $0x3  }
0x33: {  	p0 =	seq.s32 s10, $0x1;
	s10 =	sld [smem:$0x3FA1];
	_ =	sdelay $0x3  }
0x34: {  	[smem:$0x3FA1] =	sst s10  }
0x35: {  	s10 =	sld [smem:$0x3FA0];
	_ =	sdelay $0x3  }
0x36: {  	p1 =	seq.s32 s10, $0x1;
	s10 =	sld [smem:$0x3FA1];
	_ =	sdelay $0x3  }
0x37: {  	[smem:$0x3FA1] =	sst s10  }
0x38: {  	s10 =	sld [smem:$0x3FA2]  }
0x39: {  	_ = 	snop;
	(pc) =	sbr.ind lr, $3  }
0x3a: {  	_ = 	snop  }
0x3b: {  	_ = 	snop  }
0x3c: {  	p2 =	seq.s32 s10, $0x1;
	s10 =	sld [smem:$0x3FA1]  }
0x3d: {  	_ =	shalt  }
0x3e: {  	_ =	shalt  }
0x3f: {  	_ =	shalt  }
0x40: {  	_ =	shalt  }
0x41: {  	_ =	shalt  }
0x42: {  	_ =	shalt  }
0x43: {  	_ =	shalt  }
0x44: {  	_ =	shalt  }
0x45: {  	_ =	shalt  }
0x46: {  	_ =	shalt  }
0x47: {  	_ =	shalt  }
0x48: {  	_ =	shalt  }
0x49: {  	_ =	shalt  }
0x4a: {  	_ =	shalt  }
0x4b: {  	_ =	shalt  }
0x4c: {  	_ =	shalt  }
0x4d: {  	_ =	shalt  }
0x4e: {  	_ =	shalt  }
0x4f: {  	_ =	shalt  }
0x50: {  	_ =	shalt  }
0x51: {  	_ =	shalt  }
0x52: {  	_ =	shalt  }
0x53: {  	_ =	shalt  }
0x54: {  	_ =	shalt  }
0x55: {  	_ =	shalt  }
0x56: {  	_ =	shalt  }
0x57: {  	_ =	shalt  }
0x58: {  	_ =	shalt  }
0x59: {  	_ =	shalt  }
0x5a: {  	_ =	shalt  }
0x5b: {  	_ =	shalt  }
0x5c: {  	_ =	shalt  }
0x5d: {  	_ =	shalt  }
0x5e: {  	_ =	shalt  }
0x5f: {  	_ =	shalt  }
0x60: {  	_ =	shalt  }
0x61: {  	_ =	shalt  }
0x62: {  	_ =	shalt  }
0x63: {  	_ =	shalt  }
0x64: {  	_ =	shalt  }
0x65: {  	_ =	shalt  }
0x66: {  	_ =	shalt  }
0x67: {  	_ =	shalt  }
0x68: {  	_ =	shalt  }
0x69: {  	_ =	shalt  }
0x6a: {  	_ =	shalt  }
0x6b: {  	_ =	shalt  }
0x6c: {  	_ =	shalt  }
0x6d: {  	_ =	shalt  }
0x6e: {  	_ =	shalt  }
0x6f: {  	_ =	shalt  }
0x70: {  	_ =	shalt  }
0x71: {  	_ =	shalt  }
0x72: {  	_ =	shalt  }
0x73: {  	_ =	shalt  }
0x74: {  	_ =	shalt  }
0x75: {  	_ =	shalt  }
0x76: {  	_ =	shalt  }
0x77: {  	_ =	shalt  }
0x78: {  	_ =	shalt  }
0x79: {  	_ =	shalt  }
0x7a: {  	_ =	shalt  }
0x7b: {  	_ =	shalt  }
0x7c: {  	_ =	shalt  }
0x7d: {  	_ =	shalt  }
0x7e: {  	_ =	shalt  }
0x7f: {  	_ =	shalt  }
0x80: {  	_ =	shalt  }
0x81: {  	_ =	shalt  }
0x82: {  	_ =	shalt  }
0x83: {  	_ =	shalt  }
0x84: {  	_ =	shalt  }
0x85: {  	_ =	shalt  }
0x86: {  	_ =	shalt  }
0x87: {  	_ =	shalt  }
.Lfunc_end0:
.L_simem_size_0:
called_computation.2_lowered:
.L_overlay_start_0:
0x88: {  	s2 =	sld [smem:$0x3FD9]  }
0x89: {  	s3 =	sld [smem:$0x3FFE];
	_ =	sdelay $0x1  }
0x8a: {  	s1 =	srdreg.scid  }
0x8b: {  	s0 =	sand.u32 $0x1, s1  }
0x8c: {  	s14 =	sshll.u32 s0, $0xA;
	s2 =	sadd.s32 s3, s2  }
0x8d: {  	s2 =	sadd.s32 s2, s14  }
0x8e: {  	[smem:$0x3FAD] =	sst s2  }
0x8f: {  	_ = 	snop  }
0x90: {  	s2 =	sld [smem:$0x3FD0];
	_ =	sdelay $0x2  }
0x91: {  	s15 =	simm.s32 $0xA;
	s4 =	simm.s32 $0x10  }
0x92: {  	[smem:s4], [sflag:s15] =	dma.local [hbm:s2], $0x1  }
0x93: {  	_ =	swait.eq [sflag:s15], $0x1  }
0x94: {  	[sflag:s15] =	ssyncset.done $0x0  }
0x95: {  	[sflag:s15] =	ssyncadd.s32 $0xFFFFFFFF  }
0x96: {  	s16 =	sld [smem:$0x10];
	(tm) =	ssettm $0x1  }
0x97: {  	s17 =	sld [smem:$0x3FFB];
	_ =	sdelay $0x3  }
0x98: {  	_ =	strace s17  }
0x99: {  	s3 =	sld [smem:$0x3FFC];
	_ =	sdelay $0x3  }
0x9a: {  	_ =	strace s3  }
0x9b: {  	s3 =	sld [smem:$0x3FFD];
	_ =	sdelay $0x3  }
0x9c: {  	_ =	strace s3  }
0x9d: {  	_ =	strace $0x8FFFFFFF  }
0x9e: {  	s18 =	sld [smem:$0x3FDB];
	_ =	sdelay $0x1  }
0x9f: {  	s19 =	simm.s32 $_scs_section_size  }
0xa0: {  	s5 =	simm.s32 $_size__tile_overlayer_lowered;
	s6 =	simm.s32 $_tile_overlayer_lowered  }
0xa1: {  	s22 =	simm.s32 $0x1BFF;
	s21 =	sshll.u32 s6, $0x1;
	s3 =	sadd.s32 s19, s18  }
0xa2: {  	s7 =	simm.s32 $0x0;
	s20 =	sshll.u32 s5, $0x1;
	s5 =	sadd.s32 s21, s3  }
0xa3: {  	[timem:s7], [sflag:s22] =	dma.local [hbm:s5], s20  }
0xa4: {  	_ =	swait.ge [sflag:s22], s20  }
0xa5: {  	s4 =	ssub.s32 $0x0, s20;
	[sflag:s22] =	ssyncset.done $0x0  }
0xa6: {  	[sflag:s22] =	ssyncadd.s32 s4;
	_ =	sdelay $0x1  }
0xa7: {  	s23 =	simm.s32 $0x1B8B  }
0xa8: {  	_ =	swait.ge [sflag:s23], $0x1  }
0xa9: {  	[sflag:s23] =	ssyncset.done $0x0  }
0xaa: {  	s25 =	simm.s32 $0x1B8E;
	s24 =	sld [smem:$0x3FFE];
	[sflag:s23] =	ssyncadd.s32 $0xFFFFFFFF  }
0xab: {  	s26 =	simm.s32 $execute0_lowered;
	[smem:$0x3FD2] =	sst s25  }
0xac: {  	s5 =	sshll.u32 s26, $0x1;
	_ =	strace $0x8000004C;
	[dreg:$0x1] =	wrdreg $0xFFFFFFFF  }
0xad: {  	s28 =	simm.s32 $_size_execute0_lowered;
	s3 =	sadd.s32 s3, s5;
	[dreg:$0x0] =	wrdreg $0x0  }
0xae: {  	s5 =	sshll.u32 s28, $0x1;
	[dreg:$0x2] =	wrdreg s3  }
0xaf: {  	[dreg:$0x3] =	wrdreg s5  }
0xb0: {  	[dreg:$0x4] =	wrdreg $0xC0  }
0xb1: {  	_ =	task [dreg:s7], $0x5FFFF  }
0xb2: {  	[dreg:$0x1] =	wrdreg $0xFFFFFFFF  }
0xb3: {  	[dreg:$0x0] =	wrdreg $0x60  }
0xb4: {  	[dreg:$0x2] =	wrdreg s16  }
0xb5: {  	[dreg:$0x3] =	wrdreg s24  }
0xb6: {  	[dreg:$0x4] =	wrdreg $0x9  }
0xb7: {  	_ =	task.clear_ibuf [dreg:s7], $0x5FFFF;
	_ =	strace $0x9000004C  }
0xb8: {  	s29 =	simm.s32 $0x9;
	_ =	strace $0x8000004E  }
0xb9: {  	_ =	swait.ge [sflag:s29], $0x1  }
0xba: {  	[sflag:s29] =	ssyncadd.s32 $0xFFFFFFFF  }
0xbb: {  	_ =	strace $0x9000004E  }
0xbc: {  	_ =	sfence  }
0xbd: {  	s30 =	sld [smem:$0x0];
	_ =	sdelay $0x2  }
0xbe: {  	s31 =	sshll.u32 s1, $0xD;
	s1 =	sshrl.u32 s1, $0x2  }
0xbf: {  	s3 =	sand.u32 $0x4000, s31;
	s1 =	sadd.s32 s1, s30  }
0xc0: {  	s0 =	sor.u32 s3, s0;
	s1 =	sshll.u32 s1, $0x11  }
0xc1: {  	s0 =	sor.u32 s1, s0  }
0xc2: {  	s0 =	sadd.s32 $0x8F2B, s0  }
0xc3: {  	[sflag:s0] =	ssyncadd.remote.s32 $0x1  }
0xc4: {  	_ =	sfence.sel $0xFFFF  }
0xc5: {  	[dreg:$0x0] =	wrdreg $0xFFFFFFFF;
	(pc) =	sbr.abs _section_cstart, $3  }
0xc6: {  	[dreg:$0x1] =	wrdreg $0xFFFFFFFF  }
0xc7: {  	_ =	task.clear_ibuf [dreg:s7], $0x2FFFF;
	_ =	strace $0x9FFFFFFF  }
0xc8: {  	(tm) =	ssettm $0x7FFFFFFF  }
0xc9: {  	_ =	shalt  }
tec
execute0_lowered:
.L_overlay_start_1:
0x0: {  	(tag) =	ssettag $0x1  }
0x1: {  	s1 =	rddreg [dreg:$0x0]  }
0x2: {  	s5 =	rddreg [dreg:$0x1]  }
0x3: {  	s0 =	rddreg [dreg:$0x2];
	s3 =	simm.s32 $0x0;
	s4 =	srdreg.scid  }
0x4: {  	s2 =	stileid.u32;
	s11 =	simm.s32 $0x80;
	s12 =	simm.s32 $0x50  }
0x5: {  	s13 =	simm.s32 $0x100;
	s14 =	simm.s32 $0x2900;
	s15 =	simm.s32 $0x1  }
0x6: {  	s16 =	simm.s32 $0x2;
	s17 =	simm.s32 $0x0;
	s7 =	smul.u32 $0x4E20, s2  }
0x7: {  	[smem:$0x7FF] =	sst s3;
	s6 =	sand.u32 $0x1, s4;
	s9 =	smul.u32 $0x4E200, s2  }
0x8: {  	s4 =	sadd.s32 $0x6A00, s5;
	s8 =	smul.u32 $0x2710, s6;
	s10 =	ssub.s32 $0x2, s6  }
0x9: {  	_ =	strace $0x8000004D;
	s6 =	smul.u32 $0x27100, s6;
	s29 =	sshrl.u32 s10, $0x1  }
0xa: {  	s9 =	sadd.s32 s9, s5;
	s7 =	sadd.s32 s8, s7;
	s8 =	ssub.s32 s10, s29  }
0xb: {  	s31 =	sadd.s32 s6, s9;
	s10 =	simm.s32 $0x3;
	s7 =	sshrl.u32 s7, $0x3  }
0xc: {  	s6 =	sadd.s32 $0x41800, s31;
	s30 =	sadd.s32 s7, s5;
	s5 =	smax.u32 s8, $0x1  }
0xd: {  	s7 =	sadd.s32 $0x523800, s31;
	s8 =	sadd.s32 $0x2DC00, s30;
	s9 =	sadd.s32 $0x37A00, s30  }
.LBB2_1:
0xe: {  	s18 =	sadd.s32 $0x0, s9  }
0xf: {  	[tilespmem:s3], [sflag:$0x3] =	stream.linear.gather [hbm4b:s18+s3], $0x50, $0x38;
	[tilespmem:$0x5100] =	vst v63  }
0x10: {  	_ =	swait.ge [sflag:s10], $0x50  }
0x11: {  	[sflag:s10] =	ssyncset.done $0x0  }
0x12: {  	s31 =	sadd.s32 $0x0, s8;
	[sflag:s10] =	ssyncadd.s32 $0xFFFFFFB0  }
0x13: {  	[tilespmem:s11], [sflag:$0x3] =	stream.linear.gather [hbm4b:s31+s3], $0x50, $0x38;
	[tilespmem:$0x5100] =	vst v63  }
0x14: {  	_ =	swait.ge [sflag:s10], $0x50  }
0x15: {  	[sflag:s10] =	ssyncset.done $0x0  }
0x16: {  	[sflag:s10] =	ssyncadd.s32 $0xFFFFFFB0  }
0x17: {  	[tilespmem:s13], [sflag:$0x1] =	stream.indirect.gather [hbm4b:s1+s12], $0x80, s3, s12, $0xb8;
	[tilespmem:$0x5100] =	vst v63  }
0x18: {  	_ = 	snop  }
0x19: {  	[tilespmem:s14], [sflag:$0x2] =	stream.indirect.gather [hbm4b:s4+s12], $0x80, s11, s12, $0xb8;
	[tilespmem:$0x5100] =	vst v63  }
0x1a: {  	_ =	swait.ge [sflag:s15], $0x2800  }
0x1b: {  	[sflag:s15] =	ssyncset.done $0x0  }
0x1c: {  	[sflag:s15] =	ssyncadd.s32 $0xFFFFD800  }
0x1d: {  	_ =	swait.ge [sflag:s16], $0x2800  }
0x1e: {  	[sflag:s16] =	ssyncset.done $0x0  }
0x1f: {  	[sflag:s16] =	ssyncadd.s32 $0xFFFFD800  }
0x20: {  	[hbm4b:s6+s3] =	stream.linear.scatter [tilespmem:s13], [sflag:$0x3], $0x2800, $0x38;
	[tilespmem:$0x5100] =	vst v63  }
0x21: {  	_ =	swait.ge [sflag:s10], $0x2800  }
0x22: {  	[sflag:s10] =	ssyncset.done $0x0  }
0x23: {  	[sflag:s10] =	ssyncadd.s32 $0xFFFFD800  }
0x24: {  	[hbm4b:s7+s3] =	stream.linear.scatter [tilespmem:s14], [sflag:$0x3], $0x2800, $0x38;
	[tilespmem:$0x5100] =	vst v63  }
0x25: {  	s20 =	simm.s32 $0xA;
	s21 =	simm.s32 $0x14;
	_ =	swait.ge [sflag:s10], $0x2800  }
0x26: {  	s19 =	sadd.s32 $0x500, s6;
	s18 =	sadd.s32 $0x500, s7;
	[sflag:s10] =	ssyncset.done $0x0  }
.LBB2_2:
0x27: {  	s22 =	sadd.s32 s20, s9  }
0x28: {  	[sflag:s10] =	ssyncadd.s32 $0xFFFFD800;
	s23 =	smov.u32 s21;
	s24 =	sadd.s32 $0xA, s21  }
0x29: {  	[tilespmem:s3], [sflag:$0x3] =	stream.linear.gather [hbm4b:s22+s3], $0x50, $0x38;
	[tilespmem:$0x5100] =	vst v63  }
0x2a: {  	p0 =	sne.s32 s21, $0x4D8;
	_ =	swait.ge [sflag:s10], $0x50  }
0x2b: {  	[sflag:s10] =	ssyncset.done $0x0  }
0x2c: {  	s21 =	sadd.s32 s20, s8;
	s20 =	smov.u32 s23;
	[sflag:s10] =	ssyncadd.s32 $0xFFFFFFB0  }
0x2d: {  	[tilespmem:s11], [sflag:$0x3] =	stream.linear.gather [hbm4b:s21+s3], $0x50, $0x38;
	[tilespmem:$0x5100] =	vst v63  }
0x2e: {  	_ =	swait.ge [sflag:s10], $0x50  }
0x2f: {  	[sflag:s10] =	ssyncset.done $0x0  }
0x30: {  	[sflag:s10] =	ssyncadd.s32 $0xFFFFFFB0  }
0x31: {  	[tilespmem:s13], [sflag:$0x1] =	stream.indirect.gather [hbm4b:s1+s12], $0x80, s3, s12, $0xb8;
	[tilespmem:$0x5100] =	vst v63  }
0x32: {  	_ = 	snop  }
0x33: {  	[tilespmem:s14], [sflag:$0x2] =	stream.indirect.gather [hbm4b:s4+s12], $0x80, s11, s12, $0xb8;
	[tilespmem:$0x5100] =	vst v63  }
0x34: {  	_ =	swait.ge [sflag:s15], $0x2800  }
0x35: {  	[sflag:s15] =	ssyncset.done $0x0  }
0x36: {  	[sflag:s15] =	ssyncadd.s32 $0xFFFFD800  }
0x37: {  	_ =	swait.ge [sflag:s16], $0x2800  }
0x38: {  	[sflag:s16] =	ssyncset.done $0x0  }
0x39: {  	[sflag:s16] =	ssyncadd.s32 $0xFFFFD800  }
0x3a: {  	[hbm4b:s19+s3] =	stream.linear.scatter [tilespmem:s13], [sflag:$0x3], $0x2800, $0x38;
	[tilespmem:$0x5100] =	vst v63  }
0x3b: {  	_ =	swait.ge [sflag:s10], $0x2800  }
.Ltmp0:
0x3c: {  	[sflag:s10] =	ssyncset.done $0x0;
	(pc) =	sbr.rel @p0 .LBB2_2-.Ltmp0, $4  }
0x3d: {  	[sflag:s10] =	ssyncadd.s32 $0xFFFFD800  }
0x3e: {  	[hbm4b:s18+s3] =	stream.linear.scatter [tilespmem:s14], [sflag:$0x3], $0x2800, $0x38;
	[tilespmem:$0x5100] =	vst v63  }
0x3f: {  	s21 =	smov.u32 s24;
	_ =	swait.ge [sflag:s10], $0x2800  }
0x40: {  	s19 =	sadd.s32 $0x500, s19;
	s18 =	sadd.s32 $0x500, s18;
	[sflag:s10] =	ssyncset.done $0x0  }
0x41: {  	s21 =	sadd.s32 s20, s9;
	[sflag:s10] =	ssyncadd.s32 $0xFFFFD800  }
0x42: {  	[tilespmem:s3], [sflag:$0x3] =	stream.linear.gather [hbm4b:s21+s3], $0x50, $0x38;
	[tilespmem:$0x5100] =	vst v63  }
0x43: {  	_ =	swait.ge [sflag:s10], $0x50  }
0x44: {  	[sflag:s10] =	ssyncset.done $0x0  }
0x45: {  	s31 =	sadd.s32 s20, s8;
	[sflag:s10] =	ssyncadd.s32 $0xFFFFFFB0  }
0x46: {  	[tilespmem:s11], [sflag:$0x3] =	stream.linear.gather [hbm4b:s31+s3], $0x50, $0x38;
	[tilespmem:$0x5100] =	vst v63  }
0x47: {  	_ =	swait.ge [sflag:s10], $0x50  }
0x48: {  	[sflag:s10] =	ssyncset.done $0x0  }
0x49: {  	[sflag:s10] =	ssyncadd.s32 $0xFFFFFFB0  }
0x4a: {  	[tilespmem:s13], [sflag:$0x1] =	stream.indirect.gather [hbm4b:s1+s12], $0x80, s3, s12, $0xb8;
	[tilespmem:$0x5100] =	vst v63  }
0x4b: {  	_ = 	snop  }
0x4c: {  	[tilespmem:s14], [sflag:$0x2] =	stream.indirect.gather [hbm4b:s4+s12], $0x80, s11, s12, $0xb8;
	[tilespmem:$0x5100] =	vst v63  }
0x4d: {  	_ =	swait.ge [sflag:s15], $0x2800  }
0x4e: {  	[sflag:s15] =	ssyncset.done $0x0  }
0x4f: {  	[sflag:s15] =	ssyncadd.s32 $0xFFFFD800  }
0x50: {  	_ =	swait.ge [sflag:s16], $0x2800  }
0x51: {  	[sflag:s16] =	ssyncset.done $0x0  }
0x52: {  	[sflag:s16] =	ssyncadd.s32 $0xFFFFD800  }
0x53: {  	[hbm4b:s19+s3] =	stream.linear.scatter [tilespmem:s13], [sflag:$0x3], $0x2800, $0x38;
	[tilespmem:$0x5100] =	vst v63  }
0x54: {  	s17 =	sadd.s32 $0x1, s17;
	_ =	swait.ge [sflag:s10], $0x2800  }
0x55: {  	p0 =	sne.s32 s17, s5;
	[sflag:s10] =	ssyncset.done $0x0  }
.Ltmp1:
0x56: {  	[sflag:s10] =	ssyncadd.s32 $0xFFFFD800;
	(pc) =	sbr.rel @p0 .LBB2_1-.Ltmp1, $4  }
0x57: {  	[hbm4b:s18+s3] =	stream.linear.scatter [tilespmem:s14], [sflag:$0x3], $0x2800, $0x38;
	[tilespmem:$0x5100] =	vst v63  }
0x58: {  	_ =	swait.ge [sflag:s10], $0x2800  }
0x59: {  	[sflag:s10] =	ssyncset.done $0x0  }
0x5a: {  	[sflag:s10] =	ssyncadd.s32 $0xFFFFD800  }
0x5b: {  	_ =	sfence.sel $0x180000  }
0x5c: {  	[bflag:$0x0] =	sbarrier.arrive $0xFFFF  }
0x5d: {  	p0 =	sne.s32 s2, $0x0;
	_ =	strace $0x9000004D  }
0x5e: {  	s0 =	sadd.s32 @!p0 $0x100000, s0;
	[bflag:$0x2] =	sbarrier.arrive $0xFFFF  }
0x5f: {  	[sflag:s0] =	ssyncadd.tile.s32 @!p0 $0x1;
	_ =	shalt  }
.Lfunc_end2:
_tile_overlayer_lowered:
.L_overlay_start_2:
0x60: {  	(tag) =	ssettag $0x2  }
0x61: {  	s0 =	rddreg [dreg:$0x0];
	s2 =	stileid.u32  }
0x62: {  	s1 =	rddreg [dreg:$0x1];
	p0 =	sne.s32 s2, $0x0  }
0x63: {  	s3 =	rddreg [dreg:$0x2];
	[bflag:$0x3] =	sbarrier.arrive $0xFFFF;
	s2 =	simm.s32 @!p0 $0x1C03  }
0x64: {  	[timem:s3], [sflag:s2] =	dma.local @!p0 [hbm:s0], s1  }
0x65: {  	s0 =	simm.s32 @!p0 $0x3  }
0x66: {  	_ =	swait.ge @!p0 [sflag:s0], s1  }
0x67: {  	s1 =	ssub.s32 @!p0 $0x0, s1;
	[sflag:s0] =	ssyncset.done @!p0 $0x0  }
0x68: {  	[sflag:s0] =	ssyncadd.s32 @!p0 s1  }
0x69: {  	[bflag:$0x3] =	sbarrier.arrive $0xFFFF  }
0x6a: {  	_ =	shalt  }

// kernel: kernel.9.cloned.1.call-start
scs
__scs_entry_jumppad:
0x0: {  	(pc) =	sbr.rel $0x88, $3  }
0x1: {  	(tag) =	ssettag $0x0;
	lr =	simm.s32 $0x1  }
0x2: {  	[smem:$0x3F86] =	sst lr;
	_ =	strace $0xD0000000  }
0x3: {  	_ = 	snop  }
0x4: {  	_ = 	snop  }
0x5: {  	_ = 	snop  }
0x6: {  	_ = 	snop  }
0x7: {  	_ = 	snop  }
__scs_overlays_trampoline_lowered:
0x8: {  	[smem:$0x3F95] =	sst s0  }
0x9: {  	[smem:$0x3F96] =	sst s1  }
0xa: {  	[smem:$0x3F97] =	sst s2  }
0xb: {  	[smem:$0x3F98] =	sst s3  }
0xc: {  	[smem:$0x3F99] =	sst s4  }
0xd: {  	[smem:$0x3F9A] =	sst s5  }
0xe: {  	[smem:$0x3F9B] =	sst s6  }
0xf: {  	[smem:$0x3F9C] =	sst s7  }
0x10: {  	[smem:$0x3F9D] =	sst s8  }
0x11: {  	[smem:$0x3F9E] =	sst s9;
	s0 =	simm.s32 @!p0 $0x0  }
0x12: {  	s1 =	sld [smem:$0x3F84];
	s0 =	simm.s32 @p0 $0x1  }
0x13: {  	[smem:$0x3F9F] =	sst s0;
	s0 =	simm.s32 @!p1 $0x0  }
0x14: {  	s2 =	sld [smem:$0x3F83];
	s0 =	simm.s32 @p1 $0x1  }
0x15: {  	[smem:$0x3FA0] =	sst s0;
	s0 =	simm.s32 @!p2 $0x0  }
0x16: {  	s3 =	sld [smem:$0x3FDB];
	s0 =	simm.s32 @p2 $0x1  }
0x17: {  	s4 =	simm.s32 $0x1BF5;
	[smem:$0x3FA2] =	sst s0  }
0x18: {  	s0 =	sld [smem:$0x3F85];
	_ =	swait.ge [sflag:s4], $0x0  }
0x19: {  	s7 =	sld [smem:$0x3F86]  }
0x1a: {  	s8 =	sadd.s32 $0xFFFFE003, lr  }
0x1b: {  	s9 =	sadd.s32 $0xFFFFFEF7, lr;
	s5 =	simm.s32 $0xFFFFFFFF;
	p2 =	slt.u32 s8, $0xFFFFF086  }
0x1c: {  	p1 =	slt.u32 s9, $0xF7A;
	s5 =	simm.s32 @!p2 $0x0  }
0x1d: {  	s5 =	simm.s32 @p1 $0x1;
	p0 =	seq.s32 s7, s2  }
0x1e: {  	s7 =	smul.u32 @!p0 $0xF7A, s2;
	p2 =	seq.s32 @!p0 s5, $0x0  }
0x1f: {  	s9 =	smul.u32 $0xF7A, s1;
	s8 =	simm.s32 @!p0 $0x1BF5;
	p2 =	por !p2, p0  }
0x20: {  	[sflag:s8] =	ssyncset.s32 @!p0 $0xFFFFF086;
	s6 =	sadd.s32 @!p0 s3, s7;
	s7 =	simm.s32 @!p0 $0x108  }
0x21: {  	s3 =	sadd.s32 s3, s9;
	s6 =	sadd.s32 @!p0 $0x88, s6;
	s7 =	simm.s32 @p2 $0x1082  }
0x22: {  	[simem:s7], [sflag:s8] =	dma.local @!p0 [hbm:s6], $0xF7A  }
0x23: {  	s9 =	sor.u32 $0xD0000000, s2;
	s6 =	simm.s32 $0x108;
	_ =	swait.ge @!p0 [sflag:s8], $0x0  }
0x24: {  	s3 =	sadd.s32 $0x88, s3;
	s6 =	simm.s32 @!p1 $0x1082;
	[sflag:s4] =	ssyncset.s32 $0xFFFFF086  }
0x25: {  	[simem:s6], [sflag:s4] =	dma.local [hbm:s3], $0xF7A  }
0x26: {  	[smem:$0x3F86] =	sst s1;
	(tag) =	ssettag s2;
	_ =	strace s9  }
0x27: {  	s1 =	sld [smem:$0x3F96]  }
0x28: {  	s2 =	sld [smem:$0x3F97]  }
0x29: {  	s4 =	sld [smem:$0x3F99]  }
0x2a: {  	p0 =	seq.s32 s5, $0x0;
	s5 =	sld [smem:$0x3F9A]  }
0x2b: {  	s6 =	sld [smem:$0x3F9B]  }
0x2c: {  	s7 =	sld [smem:$0x3F9C]  }
0x2d: {  	s3 =	simm.s32 $0x108;
	s8 =	sld [smem:$0x3F9D]  }
0x2e: {  	s3 =	simm.s32 @!p0 $0x1082;
	s9 =	sld [smem:$0x3F9E]  }
0x2f: {  	lr =	sadd.s32 s0, s3;
	s0 =	sld [smem:$0x3F95]  }
0x30: {  	s3 =	sld [smem:$0x3F98]  }
0x31: {  	[smem:$0x3FA1] =	sst s10  }
0x32: {  	s10 =	sld [smem:$0x3F9F];
	_ =	sdelay $0x3  }
0x33: {  	p0 =	seq.s32 s10, $0x1;
	s10 =	sld [smem:$0x3FA1];
	_ =	sdelay $0x3  }
0x34: {  	[smem:$0x3FA1] =	sst s10  }
0x35: {  	s10 =	sld [smem:$0x3FA0];
	_ =	sdelay $0x3  }
0x36: {  	p1 =	seq.s32 s10, $0x1;
	s10 =	sld [smem:$0x3FA1];
	_ =	sdelay $0x3  }
0x37: {  	[smem:$0x3FA1] =	sst s10  }
0x38: {  	s10 =	sld [smem:$0x3FA2]  }
0x39: {  	_ = 	snop;
	(pc) =	sbr.ind lr, $3  }
0x3a: {  	_ = 	snop  }
0x3b: {  	_ = 	snop  }
0x3c: {  	p2 =	seq.s32 s10, $0x1;
	s10 =	sld [smem:$0x3FA1]  }
0x3d: {  	_ =	shalt  }
0x3e: {  	_ =	shalt  }
0x3f: {  	_ =	shalt  }
0x40: {  	_ =	shalt  }
0x41: {  	_ =	shalt  }
0x42: {  	_ =	shalt  }
0x43: {  	_ =	shalt  }
0x44: {  	_ =	shalt  }
0x45: {  	_ =	shalt  }
0x46: {  	_ =	shalt  }
0x47: {  	_ =	shalt  }
0x48: {  	_ =	shalt  }
0x49: {  	_ =	shalt  }
0x4a: {  	_ =	shalt  }
0x4b: {  	_ =	shalt  }
0x4c: {  	_ =	shalt  }
0x4d: {  	_ =	shalt  }
0x4e: {  	_ =	shalt  }
0x4f: {  	_ =	shalt  }
0x50: {  	_ =	shalt  }
0x51: {  	_ =	shalt  }
0x52: {  	_ =	shalt  }
0x53: {  	_ =	shalt  }
0x54: {  	_ =	shalt  }
0x55: {  	_ =	shalt  }
0x56: {  	_ =	shalt  }
0x57: {  	_ =	shalt  }
0x58: {  	_ =	shalt  }
0x59: {  	_ =	shalt  }
0x5a: {  	_ =	shalt  }
0x5b: {  	_ =	shalt  }
0x5c: {  	_ =	shalt  }
0x5d: {  	_ =	shalt  }
0x5e: {  	_ =	shalt  }
0x5f: {  	_ =	shalt  }
0x60: {  	_ =	shalt  }
0x61: {  	_ =	shalt  }
0x62: {  	_ =	shalt  }
0x63: {  	_ =	shalt  }
0x64: {  	_ =	shalt  }
0x65: {  	_ =	shalt  }
0x66: {  	_ =	shalt  }
0x67: {  	_ =	shalt  }
0x68: {  	_ =	shalt  }
0x69: {  	_ =	shalt  }
0x6a: {  	_ =	shalt  }
0x6b: {  	_ =	shalt  }
0x6c: {  	_ =	shalt  }
0x6d: {  	_ =	shalt  }
0x6e: {  	_ =	shalt  }
0x6f: {  	_ =	shalt  }
0x70: {  	_ =	shalt  }
0x71: {  	_ =	shalt  }
0x72: {  	_ =	shalt  }
0x73: {  	_ =	shalt  }
0x74: {  	_ =	shalt  }
0x75: {  	_ =	shalt  }
0x76: {  	_ =	shalt  }
0x77: {  	_ =	shalt  }
0x78: {  	_ =	shalt  }
0x79: {  	_ =	shalt  }
0x7a: {  	_ =	shalt  }
0x7b: {  	_ =	shalt  }
0x7c: {  	_ =	shalt  }
0x7d: {  	_ =	shalt  }
0x7e: {  	_ =	shalt  }
0x7f: {  	_ =	shalt  }
0x80: {  	_ =	shalt  }
0x81: {  	_ =	shalt  }
0x82: {  	_ =	shalt  }
0x83: {  	_ =	shalt  }
0x84: {  	_ =	shalt  }
0x85: {  	_ =	shalt  }
0x86: {  	_ =	shalt  }
0x87: {  	_ =	shalt  }
.Lfunc_end0:
.L_simem_size_0:
called_computation_lowered:
.L_overlay_start_0:
0x88: {  	s2 =	sld [smem:$0x3FD9]  }
0x89: {  	s3 =	sld [smem:$0x3FFE];
	_ =	sdelay $0x1  }
0x8a: {  	s1 =	srdreg.scid  }
0x8b: {  	s0 =	sand.u32 $0x1, s1  }
0x8c: {  	s14 =	sshll.u32 s0, $0xA;
	s2 =	sadd.s32 s3, s2  }
0x8d: {  	s2 =	sadd.s32 s2, s14  }
0x8e: {  	[smem:$0x3FAD] =	sst s2  }
0x8f: {  	_ = 	snop  }
0x90: {  	s2 =	sld [smem:$0x3FD0];
	_ =	sdelay $0x2  }
0x91: {  	s15 =	simm.s32 $0xA;
	s4 =	simm.s32 $0x10  }
0x92: {  	[smem:s4], [sflag:s15] =	dma.local [hbm:s2], $0x1  }
0x93: {  	_ =	swait.eq [sflag:s15], $0x1  }
0x94: {  	[sflag:s15] =	ssyncset.done $0x0  }
0x95: {  	s16 =	sld [smem:$0x11];
	[sflag:s15] =	ssyncadd.s32 $0xFFFFFFFF  }
0x96: {  	s17 =	sld [smem:$0x12];
	(tm) =	ssettm $0x1  }
0x97: {  	s18 =	sld [smem:$0x3FFB];
	_ =	sdelay $0x3  }
0x98: {  	_ =	strace s18  }
0x99: {  	s4 =	sld [smem:$0x3FFC];
	_ =	sdelay $0x3  }
0x9a: {  	_ =	strace s4  }
0x9b: {  	s4 =	sld [smem:$0x3FFD];
	_ =	sdelay $0x3  }
0x9c: {  	_ =	strace s4  }
0x9d: {  	_ =	strace $0x8FFFFFFF  }
0x9e: {  	s19 =	sld [smem:$0x3FDB];
	_ =	sdelay $0x1  }
0x9f: {  	s5 =	simm.s32 $_scs_section_size  }
0xa0: {  	s6 =	simm.s32 $_size__tile_overlayer_lowered;
	s7 =	simm.s32 $_tile_overlayer_lowered  }
0xa1: {  	s22 =	simm.s32 $0x1BFF;
	s21 =	sshll.u32 s7, $0x1;
	s4 =	sadd.s32 s5, s19  }
0xa2: {  	s8 =	simm.s32 $0x0;
	s20 =	sshll.u32 s6, $0x1;
	s6 =	sadd.s32 s21, s4  }
0xa3: {  	[timem:s8], [sflag:s22] =	dma.local [hbm:s6], s20  }
0xa4: {  	_ =	swait.ge [sflag:s22], s20  }
0xa5: {  	s5 =	ssub.s32 $0x0, s20;
	[sflag:s22] =	ssyncset.done $0x0  }
0xa6: {  	[sflag:s22] =	ssyncadd.s32 s5;
	_ =	sdelay $0x1  }
0xa7: {  	s23 =	simm.s32 $0x1B8B  }
0xa8: {  	_ =	swait.ge [sflag:s23], $0x1  }
0xa9: {  	[sflag:s23] =	ssyncset.done $0x0  }
0xaa: {  	s25 =	simm.s32 $0x1B8E;
	s24 =	sld [smem:$0x3FFE];
	[sflag:s23] =	ssyncadd.s32 $0xFFFFFFFF  }
0xab: {  	s26 =	simm.s32 $execute0_lowered;
	[smem:$0x3FD2] =	sst s25  }
0xac: {  	s6 =	sshll.u32 s26, $0x1;
	_ =	strace $0x80000046;
	[dreg:$0x1] =	wrdreg $0xFFFFFFFF  }
0xad: {  	s28 =	simm.s32 $_size_execute0_lowered;
	s4 =	sadd.s32 s4, s6;
	[dreg:$0x0] =	wrdreg $0x0  }
0xae: {  	s6 =	sshll.u32 s28, $0x1;
	[dreg:$0x2] =	wrdreg s4  }
0xaf: {  	[dreg:$0x3] =	wrdreg s6  }
0xb0: {  	[dreg:$0x4] =	wrdreg $0xC0  }
0xb1: {  	_ =	task [dreg:s8], $0x5FFFF  }
0xb2: {  	[dreg:$0x1] =	wrdreg $0xFFFFFFFF  }
0xb3: {  	[dreg:$0x0] =	wrdreg $0x60  }
0xb4: {  	[dreg:$0x2] =	wrdreg s16  }
0xb5: {  	[dreg:$0x3] =	wrdreg s17  }
0xb6: {  	[dreg:$0x4] =	wrdreg s24  }
0xb7: {  	[dreg:$0x5] =	wrdreg $0x9  }
0xb8: {  	_ =	task.clear_ibuf [dreg:s8], $0x6FFFF;
	_ =	strace $0x90000046  }
0xb9: {  	s29 =	simm.s32 $0x9;
	_ =	strace $0x80000048  }
0xba: {  	_ =	swait.ge [sflag:s29], $0x1  }
0xbb: {  	[sflag:s29] =	ssyncadd.s32 $0xFFFFFFFF  }
0xbc: {  	_ =	strace $0x90000048  }
0xbd: {  	_ =	sfence  }
0xbe: {  	s30 =	sld [smem:$0x0];
	_ =	sdelay $0x2  }
0xbf: {  	s31 =	sshll.u32 s1, $0xD;
	s1 =	sshrl.u32 s1, $0x2  }
0xc0: {  	s3 =	sand.u32 $0x4000, s31;
	s1 =	sadd.s32 s1, s30  }
0xc1: {  	s0 =	sor.u32 s3, s0;
	s1 =	sshll.u32 s1, $0x11  }
0xc2: {  	s0 =	sor.u32 s1, s0  }
0xc3: {  	s0 =	sadd.s32 $0x8F2B, s0  }
0xc4: {  	[sflag:s0] =	ssyncadd.remote.s32 $0x1  }
0xc5: {  	_ =	sfence.sel $0xFFFF  }
0xc6: {  	[dreg:$0x0] =	wrdreg $0xFFFFFFFF;
	(pc) =	sbr.abs _section_cstart, $3  }
0xc7: {  	[dreg:$0x1] =	wrdreg $0xFFFFFFFF  }
0xc8: {  	_ =	task.clear_ibuf [dreg:s8], $0x2FFFF;
	_ =	strace $0x9FFFFFFF  }
0xc9: {  	(tm) =	ssettm $0x7FFFFFFF  }
tec
execute0_lowered:
.L_overlay_start_1:
0x0: {  	(tag) =	ssettag $0x1  }
0x1: {  	s1 =	rddreg [dreg:$0x0]  }
0x2: {  	s3 =	rddreg [dreg:$0x1]  }
0x3: {  	s5 =	rddreg [dreg:$0x2]  }
0x4: {  	s0 =	rddreg [dreg:$0x3];
	s6 =	srdreg.scid  }
0x5: {  	s2 =	stileid.u32;
	s4 =	simm.s32 $0x0;
	s11 =	simm.s32 $0x80  }
0x6: {  	s12 =	simm.s32 $0x50;
	s13 =	simm.s32 $0x100;
	s14 =	simm.s32 $0x2900  }
0x7: {  	s15 =	simm.s32 $0x1;
	s16 =	simm.s32 $0x2;
	s7 =	smul.u32 $0x4E20, s2  }
0x8: {  	s17 =	simm.s32 $0x0;
	s6 =	sand.u32 $0x1, s6;
	s9 =	smul.u32 $0x4E200, s2  }
0x9: {  	[smem:$0x7FF] =	sst s4;
	s8 =	smul.u32 $0x2710, s6;
	s10 =	ssub.s32 $0x2, s6  }
0xa: {  	_ =	strace $0x80000047;
	s6 =	smul.u32 $0x27100, s6;
	s29 =	sshrl.u32 s10, $0x1  }
0xb: {  	s9 =	sadd.s32 s9, s5;
	s7 =	sadd.s32 s8, s7;
	s8 =	ssub.s32 s10, s29  }
0xc: {  	s31 =	sadd.s32 s6, s9;
	s10 =	simm.s32 $0x3;
	s7 =	sshrl.u32 s7, $0x3  }
0xd: {  	s6 =	sadd.s32 $0x41800, s31;
	s30 =	sadd.s32 s7, s5;
	s5 =	smax.u32 s8, $0x1  }
0xe: {  	s7 =	sadd.s32 $0x523800, s31;
	s8 =	sadd.s32 $0x2DC00, s30;
	s9 =	sadd.s32 $0x37A00, s30  }
.LBB2_1:
0xf: {  	s18 =	sadd.s32 $0x0, s9  }
0x10: {  	[tilespmem:s4], [sflag:$0x3] =	stream.linear.gather [hbm4b:s18+s4], $0x50, $0x38;
	[tilespmem:$0x5100] =	vst v63  }
0x11: {  	_ =	swait.ge [sflag:s10], $0x50  }
0x12: {  	[sflag:s10] =	ssyncset.done $0x0  }
0x13: {  	s31 =	sadd.s32 $0x0, s8;
	[sflag:s10] =	ssyncadd.s32 $0xFFFFFFB0  }
0x14: {  	[tilespmem:s11], [sflag:$0x3] =	stream.linear.gather [hbm4b:s31+s4], $0x50, $0x38;
	[tilespmem:$0x5100] =	vst v63  }
0x15: {  	_ =	swait.ge [sflag:s10], $0x50  }
0x16: {  	[sflag:s10] =	ssyncset.done $0x0  }
0x17: {  	[sflag:s10] =	ssyncadd.s32 $0xFFFFFFB0  }
0x18: {  	[tilespmem:s13], [sflag:$0x1] =	stream.indirect.gather [hbm4b:s1+s12], $0x80, s4, s12, $0xb8;
	[tilespmem:$0x5100] =	vst v63  }
0x19: {  	_ = 	snop  }
0x1a: {  	[tilespmem:s14], [sflag:$0x2] =	stream.indirect.gather [hbm4b:s3+s12], $0x80, s11, s12, $0xb8;
	[tilespmem:$0x5100] =	vst v63  }
0x1b: {  	_ =	swait.ge [sflag:s15], $0x2800  }
0x1c: {  	[sflag:s15] =	ssyncset.done $0x0  }
0x1d: {  	[sflag:s15] =	ssyncadd.s32 $0xFFFFD800  }
0x1e: {  	_ =	swait.ge [sflag:s16], $0x2800  }
0x1f: {  	[sflag:s16] =	ssyncset.done $0x0  }
0x20: {  	[sflag:s16] =	ssyncadd.s32 $0xFFFFD800  }
0x21: {  	[hbm4b:s6+s4] =	stream.linear.scatter [tilespmem:s13], [sflag:$0x3], $0x2800, $0x38;
	[tilespmem:$0x5100] =	vst v63  }
0x22: {  	_ =	swait.ge [sflag:s10], $0x2800  }
0x23: {  	[sflag:s10] =	ssyncset.done $0x0  }
0x24: {  	[sflag:s10] =	ssyncadd.s32 $0xFFFFD800  }
0x25: {  	[hbm4b:s7+s4] =	stream.linear.scatter [tilespmem:s14], [sflag:$0x3], $0x2800, $0x38;
	[tilespmem:$0x5100] =	vst v63  }
0x26: {  	s20 =	simm.s32 $0xA;
	s21 =	simm.s32 $0x14;
	_ =	swait.ge [sflag:s10], $0x2800  }
0x27: {  	s19 =	sadd.s32 $0x500, s6;
	s18 =	sadd.s32 $0x500, s7;
	[sflag:s10] =	ssyncset.done $0x0  }
.LBB2_2:
0x28: {  	s22 =	sadd.s32 s20, s9  }
0x29: {  	[sflag:s10] =	ssyncadd.s32 $0xFFFFD800;
	s23 =	smov.u32 s21;
	s24 =	sadd.s32 $0xA, s21  }
0x2a: {  	[tilespmem:s4], [sflag:$0x3] =	stream.linear.gather [hbm4b:s22+s4], $0x50, $0x38;
	[tilespmem:$0x5100] =	vst v63  }
0x2b: {  	p0 =	sne.s32 s21, $0x4D8;
	_ =	swait.ge [sflag:s10], $0x50  }
0x2c: {  	[sflag:s10] =	ssyncset.done $0x0  }
0x2d: {  	s21 =	sadd.s32 s20, s8;
	s20 =	smov.u32 s23;
	[sflag:s10] =	ssyncadd.s32 $0xFFFFFFB0  }
0x2e: {  	[tilespmem:s11], [sflag:$0x3] =	stream.linear.gather [hbm4b:s21+s4], $0x50, $0x38;
	[tilespmem:$0x5100] =	vst v63  }
0x2f: {  	_ =	swait.ge [sflag:s10], $0x50  }
0x30: {  	[sflag:s10] =	ssyncset.done $0x0  }
0x31: {  	[sflag:s10] =	ssyncadd.s32 $0xFFFFFFB0  }
0x32: {  	[tilespmem:s13], [sflag:$0x1] =	stream.indirect.gather [hbm4b:s1+s12], $0x80, s4, s12, $0xb8;
	[tilespmem:$0x5100] =	vst v63  }
0x33: {  	_ = 	snop  }
0x34: {  	[tilespmem:s14], [sflag:$0x2] =	stream.indirect.gather [hbm4b:s3+s12], $0x80, s11, s12, $0xb8;
	[tilespmem:$0x5100] =	vst v63  }
0x35: {  	_ =	swait.ge [sflag:s15], $0x2800  }
0x36: {  	[sflag:s15] =	ssyncset.done $0x0  }
0x37: {  	[sflag:s15] =	ssyncadd.s32 $0xFFFFD800  }
0x38: {  	_ =	swait.ge [sflag:s16], $0x2800  }
0x39: {  	[sflag:s16] =	ssyncset.done $0x0  }
0x3a: {  	[sflag:s16] =	ssyncadd.s32 $0xFFFFD800  }
0x3b: {  	[hbm4b:s19+s4] =	stream.linear.scatter [tilespmem:s13], [sflag:$0x3], $0x2800, $0x38;
	[tilespmem:$0x5100] =	vst v63  }
0x3c: {  	_ =	swait.ge [sflag:s10], $0x2800  }
.Ltmp0:
0x3d: {  	[sflag:s10] =	ssyncset.done $0x0;
	(pc) =	sbr.rel @p0 .LBB2_2-.Ltmp0, $4  }
0x3e: {  	[sflag:s10] =	ssyncadd.s32 $0xFFFFD800  }
0x3f: {  	[hbm4b:s18+s4] =	stream.linear.scatter [tilespmem:s14], [sflag:$0x3], $0x2800, $0x38;
	[tilespmem:$0x5100] =	vst v63  }
0x40: {  	s21 =	smov.u32 s24;
	_ =	swait.ge [sflag:s10], $0x2800  }
0x41: {  	s19 =	sadd.s32 $0x500, s19;
	s18 =	sadd.s32 $0x500, s18;
	[sflag:s10] =	ssyncset.done $0x0  }
0x42: {  	s21 =	sadd.s32 s20, s9;
	[sflag:s10] =	ssyncadd.s32 $0xFFFFD800  }
0x43: {  	[tilespmem:s4], [sflag:$0x3] =	stream.linear.gather [hbm4b:s21+s4], $0x50, $0x38;
	[tilespmem:$0x5100] =	vst v63  }
0x44: {  	_ =	swait.ge [sflag:s10], $0x50  }
0x45: {  	[sflag:s10] =	ssyncset.done $0x0  }
0x46: {  	s31 =	sadd.s32 s20, s8;
	[sflag:s10] =	ssyncadd.s32 $0xFFFFFFB0  }
0x47: {  	[tilespmem:s11], [sflag:$0x3] =	stream.linear.gather [hbm4b:s31+s4], $0x50, $0x38;
	[tilespmem:$0x5100] =	vst v63  }
0x48: {  	_ =	swait.ge [sflag:s10], $0x50  }
0x49: {  	[sflag:s10] =	ssyncset.done $0x0  }
0x4a: {  	[sflag:s10] =	ssyncadd.s32 $0xFFFFFFB0  }
0x4b: {  	[tilespmem:s13], [sflag:$0x1] =	stream.indirect.gather [hbm4b:s1+s12], $0x80, s4, s12, $0xb8;
	[tilespmem:$0x5100] =	vst v63  }
0x4c: {  	_ = 	snop  }
0x4d: {  	[tilespmem:s14], [sflag:$0x2] =	stream.indirect.gather [hbm4b:s3+s12], $0x80, s11, s12, $0xb8;
	[tilespmem:$0x5100] =	vst v63  }
0x4e: {  	_ =	swait.ge [sflag:s15], $0x2800  }
0x4f: {  	[sflag:s15] =	ssyncset.done $0x0  }
0x50: {  	[sflag:s15] =	ssyncadd.s32 $0xFFFFD800  }
0x51: {  	_ =	swait.ge [sflag:s16], $0x2800  }
0x52: {  	[sflag:s16] =	ssyncset.done $0x0  }
0x53: {  	[sflag:s16] =	ssyncadd.s32 $0xFFFFD800  }
0x54: {  	[hbm4b:s19+s4] =	stream.linear.scatter [tilespmem:s13], [sflag:$0x3], $0x2800, $0x38;
	[tilespmem:$0x5100] =	vst v63  }
0x55: {  	s17 =	sadd.s32 $0x1, s17;
	_ =	swait.ge [sflag:s10], $0x2800  }
0x56: {  	p0 =	sne.s32 s17, s5;
	[sflag:s10] =	ssyncset.done $0x0  }
.Ltmp1:
0x57: {  	[sflag:s10] =	ssyncadd.s32 $0xFFFFD800;
	(pc) =	sbr.rel @p0 .LBB2_1-.Ltmp1, $4  }
0x58: {  	[hbm4b:s18+s4] =	stream.linear.scatter [tilespmem:s14], [sflag:$0x3], $0x2800, $0x38;
	[tilespmem:$0x5100] =	vst v63  }
0x59: {  	_ =	swait.ge [sflag:s10], $0x2800  }
0x5a: {  	[sflag:s10] =	ssyncset.done $0x0  }
0x5b: {  	[sflag:s10] =	ssyncadd.s32 $0xFFFFD800  }
0x5c: {  	_ =	sfence.sel $0x180000  }
0x5d: {  	[bflag:$0x0] =	sbarrier.arrive $0xFFFF  }
0x5e: {  	p0 =	sne.s32 s2, $0x0;
	_ =	strace $0x90000047  }
0x5f: {  	s0 =	sadd.s32 @!p0 $0x100000, s0;
	[bflag:$0x2] =	sbarrier.arrive $0xFFFF  }
0x60: {  	[sflag:s0] =	ssyncadd.tile.s32 @!p0 $0x1;
	_ =	shalt  }
.Lfunc_end2:
_tile_overlayer_lowered:
.L_overlay_start_2:
0x61: {  	(tag) =	ssettag $0x2  }
0x62: {  	s0 =	rddreg [dreg:$0x0];
	s2 =	stileid.u32  }
0x63: {  	s1 =	rddreg [dreg:$0x1];
	p0 =	sne.s32 s2, $0x0  }
0x64: {  	s3 =	rddreg [dreg:$0x2];
	[bflag:$0x3] =	sbarrier.arrive $0xFFFF;
	s2 =	simm.s32 @!p0 $0x1C03  }
0x65: {  	[timem:s3], [sflag:s2] =	dma.local @!p0 [hbm:s0], s1  }
0x66: {  	s0 =	simm.s32 @!p0 $0x3  }
0x67: {  	_ =	swait.ge @!p0 [sflag:s0], s1  }
0x68: {  	s1 =	ssub.s32 @!p0 $0x0, s1;
	[sflag:s0] =	ssyncset.done @!p0 $0x0  }
0x69: {  	[sflag:s0] =	ssyncadd.s32 @!p0 s1  }
0x6a: {  	[bflag:$0x3] =	sbarrier.arrive $0xFFFF  }
0x6b: {  	_ =	shalt  }

</sc_bundles>
